<compile_context>
chip_gen: v7x
topology: tpu7x:2x2x1
jax: 0.10.2.dev20260603
libtpu: 0.0.44.dev20260713+nightly
codegen_flags: <defaults>
</compile_context>

<pallas_src>
import functools

import jax
import jax.numpy as jnp
from jax import lax
from jax.experimental import pallas as pl
from jax.experimental.pallas import tpu as pltpu
from jax.experimental.pallas import tpu_sc as plsc

N = 10000
E = 320000
D = 128
DE = 16
AGGW = 144

NC = 2
NS = 16
NW = NC * NS
C = 40
EW = E // NW
NITER = EW // C
NPAD = 10240
RPT = NPAD // NS


_mesh = plsc.VectorSubcoreMesh(core_axis_name="c", subcore_axis_name="s")


@functools.partial(
    pl.kernel,
    mesh=_mesh,
    compiler_params=pltpu.CompilerParams(use_tc_tiling_on_sc=False,
                                        needs_layout_passes=False),
    out_type=[
        jax.ShapeDtypeStruct((E, DE), jnp.float32),
        jax.ShapeDtypeStruct((NC, NPAD, AGGW), jnp.float32),
    ],
    scratch_types=[
        pltpu.VMEM((2, C), jnp.int32),
        pltpu.VMEM((4, C), jnp.int32),
        pltpu.VMEM((2, C, D // 2), jnp.float32),
        pltpu.VMEM((2, C, D // 2 + DE), jnp.float32),
        pltpu.VMEM((2, C, AGGW), jnp.float32),
        pltpu.VMEM((2, C, DE), jnp.float32),
        pltpu.VMEM((2, C, DE), jnp.float32),
        pltpu.VMEM((2, C, DE), jnp.float32),
        pltpu.VMEM_SHARED((NPAD, AGGW), jnp.float32),
        pltpu.SemaphoreType.DMA((2,)),
        pltpu.SemaphoreType.DMA((2,)),
        pltpu.SemaphoreType.DMA((2,)),
        pltpu.SemaphoreType.DMA((2,)),
    ],
)
def _sc_edge(src_hbm, tgt_hbm, hp_hbm, ep_hbm, hws_hbm, hwt_hbm,
             enew_hbm, agg_hbm,
             idx_s2, idx_t4, hp2, ep2, msg2, hws2, hwt2,
             enew2, agg_sh, sem_idx, sem_in, sem_out, sem_sc):
    c = lax.axis_index("c")
    s = lax.axis_index("s")
    w = s * NC + c
    base0 = w * EW

    lanes = lax.iota(jnp.int32, 16)
    unit = jnp.where(lanes == 0, jnp.float32(1.0), jnp.float32(0.0))
    zero16 = jnp.zeros((16,), jnp.float32)

    def _zfill(r, carry):
        for j in range(AGGW // 16):
            msg2[0, r, pl.ds(j * 16, 16)] = zero16
        return carry
    lax.fori_loop(0, C, _zfill, 0)

    def _zcopy(k, carry):
        off = pl.multiple_of(s * RPT + k * C, 8)
        pltpu.sync_copy(msg2.at[0], agg_sh.at[pl.ds(off, C)])
        return carry
    lax.fori_loop(0, RPT // C, _zcopy, 0)

    def _const(r, carry):
        msg2[0, r, pl.ds(D, 16)] = unit
        msg2[1, r, pl.ds(D, 16)] = unit
        return carry
    lax.fori_loop(0, C, _const, 0)
    plsc.subcore_barrier()

    def _chunk_base(g):
        return pl.multiple_of(base0 + g * C, 8)

    def _fire_idx(g, b, q):
        base = _chunk_base(g)
        pltpu.async_copy(src_hbm.at[pl.ds(base, C)], idx_s2.at[b],
                         sem_idx.at[b])
        pltpu.async_copy(tgt_hbm.at[pl.ds(base, C)], idx_t4.at[q],
                         sem_idx.at[b])

    def _wait_idx(b):
        pltpu.make_async_copy(src_hbm.at[pl.ds(0, C)], idx_s2.at[b],
                              sem_idx.at[b]).wait()
        pltpu.make_async_copy(tgt_hbm.at[pl.ds(0, C)], idx_s2.at[b],
                              sem_idx.at[b]).wait()

    def _fire_in(g, b, q):
        base = _chunk_base(g)
        pltpu.async_copy(hp_hbm.at[idx_s2.at[b]], hp2.at[b], sem_in.at[b])
        pltpu.async_copy(ep_hbm.at[pl.ds(base, C)], ep2.at[b], sem_in.at[b])
        pltpu.async_copy(hws_hbm.at[idx_s2.at[b]], hws2.at[b], sem_in.at[b])
        pltpu.async_copy(hwt_hbm.at[idx_t4.at[q]], hwt2.at[b], sem_in.at[b])

    def _wait_in(b):
        pltpu.make_async_copy(hp_hbm.at[pl.ds(0, C)], hp2.at[b],
                              sem_in.at[b]).wait()
        pltpu.make_async_copy(ep_hbm.at[pl.ds(0, C)], ep2.at[b],
                              sem_in.at[b]).wait()
        pltpu.make_async_copy(hws_hbm.at[pl.ds(0, C)], hws2.at[b],
                              sem_in.at[b]).wait()
        pltpu.make_async_copy(hwt_hbm.at[pl.ds(0, C)], hwt2.at[b],
                              sem_in.at[b]).wait()

    def _wait_store(b):
        pltpu.make_async_copy(enew2.at[b], enew_hbm.at[pl.ds(0, C)],
                              sem_out.at[b]).wait()

    def _wait_scatter(b):
        pltpu.make_async_copy(msg2.at[b], agg_sh.at[idx_t4.at[b]],
                              sem_sc.at[b]).wait()

    zb32 = jnp.zeros((32,), jnp.bfloat16)

    def _compute(b):
        def _row(r, carry2):
            for j in range(D // 32):
                ha = plsc.bitcast(hp2[b, r, pl.ds(j * 16, 16)], jnp.bfloat16)
                ea = plsc.bitcast(ep2[b, r, pl.ds(j * 16, 16)], jnp.bfloat16)
                v = jnp.maximum(ha + ea, zb32)
                lo, hi = plsc.unpack(v, format=plsc.PackFormat.INTERLEAVED)
                msg2[b, r, pl.ds(j * 16, 16)] = lo
                msg2[b, r, pl.ds(D // 2 + j * 16, 16)] = hi
            ewp = plsc.bitcast(ep2[b, r, pl.ds(D // 2, 16)], jnp.bfloat16)
            ewrow, _junk = plsc.unpack(ewp, format=plsc.PackFormat.INTERLEAVED)
            en = jnp.maximum(ewrow + hws2[b, r, :] + hwt2[b, r, :], 0.0)
            enew2[b, r, :] = en
            return carry2
        lax.fori_loop(0, C, _row, 0)

    _fire_idx(0, 0, 0)
    _wait_idx(0)
    _fire_in(0, 0, 0)
    _fire_idx(1, 1, 1)

    def _outer(go, carry):
        qbase = 2 * lax.rem(go, 2)
        for u in (0, 1):
            b = u
            nb = 1 - u
            g = 2 * go + u
            q = qbase + u
            qn = lax.rem(qbase + u + 1, 4)
            qnn = lax.rem(qbase + u + 2, 4)
            if u == 0:
                @pl.when(go > 0)
                def _():
                    _wait_store(nb)
            else:
                _wait_store(nb)
            _wait_idx(nb)
            _wait_in(b)

            @pl.when(g < NITER - 1)
            def _():
                _fire_in(g + 1, nb, qn)

            @pl.when(go > 0)
            def _():
                _wait_scatter(b)
            _fire_idx(jnp.minimum(g + 2, NITER - 1), b, qnn)
            _compute(b)
            pltpu.async_copy(msg2.at[b], agg_sh.at[idx_t4.at[q]],
                             sem_sc.at[b], add=True)
            pltpu.async_copy(enew2.at[b], enew_hbm.at[pl.ds(_chunk_base(g), C)],
                             sem_out.at[b])
        return carry
    lax.fori_loop(0, NITER // 2, _outer, 0)
    _wait_store(1)
    _wait_scatter(0)
    _wait_scatter(1)

    plsc.subcore_barrier()
    soff = pl.multiple_of(s * RPT, 8)
    pltpu.sync_copy(agg_sh.at[pl.ds(soff, RPT)],
                    agg_hbm.at[c, pl.ds(soff, RPT)])


def _pack_pairs(x):
    hd = x.shape[-1] // 2
    lo = jax.lax.bitcast_convert_type(
        x[:, :hd].astype(jnp.bfloat16), jnp.uint16).astype(jnp.uint32)
    hi = jax.lax.bitcast_convert_type(
        x[:, hd:].astype(jnp.bfloat16), jnp.uint16).astype(jnp.uint32)
    return jax.lax.bitcast_convert_type((hi << 16) | lo, jnp.float32)


def _node_pre_body(h_ref, pw1_ref, pb_ref, wws_ref, wwt_ref,
                   hp_ref, hws_ref, hwt_ref):
    h = h_ref[...]
    hp = jnp.dot(h, pw1_ref[...],
                 preferred_element_type=jnp.float32) + pb_ref[...]
    hp_ref[...] = _pack_pairs(hp)
    hws_ref[...] = jnp.dot(h, wws_ref[...], preferred_element_type=jnp.float32)
    hwt_ref[...] = jnp.dot(h, wwt_ref[...], preferred_element_type=jnp.float32)


def _edge_pre_body(e_ref, pw2_ref, ww1_ref, wb_ref, epw_ref):
    eb = e_ref[...]
    ep = jnp.dot(eb, pw2_ref[...], preferred_element_type=jnp.float32)
    ew = jnp.dot(eb, ww1_ref[...],
                 preferred_element_type=jnp.float32) + wb_ref[...]
    ewz = jnp.concatenate([ew, jnp.zeros_like(ew)], axis=1)
    epw_ref[...] = jnp.concatenate(
        [_pack_pairs(ep), _pack_pairs(ewz)], axis=1)


def _finish_body(h_ref, a0_ref, a1_ref, qw_ref, qb_ref, out_ref):
    ssum = a0_ref[...] + a1_ref[...]
    deg = ssum[:, D:D + 1]
    agg = ssum[:, :D] / deg
    x = jnp.concatenate([h_ref[...], agg], axis=1)
    out_ref[...] = jnp.maximum(
        jnp.dot(x, qw_ref[...], preferred_element_type=jnp.float32)
        + qb_ref[...], 0.0)


_EB = 8000
_NB = 2000


def kernel(h, e, edge_index, P_w, P_b, Q_w, Q_b, W_w, W_b):
    src = edge_index[0]
    tgt = edge_index[1]
    P_w1 = P_w[:D]
    P_w2 = P_w[D:]
    W_w1 = W_w[:DE]
    W_ws = W_w[DE:DE + D]
    W_wt = W_w[DE + D:]

    hp, hws, hwt = pl.pallas_call(
        _node_pre_body,
        out_shape=[
            jax.ShapeDtypeStruct((N, D // 2), jnp.float32),
            jax.ShapeDtypeStruct((N, DE), jnp.float32),
            jax.ShapeDtypeStruct((N, DE), jnp.float32),
        ],
    )(h, P_w1, P_b.reshape(1, D), W_ws, W_wt)

    epw = pl.pallas_call(
        _edge_pre_body,
        grid=(E // _EB,),
        in_specs=[
            pl.BlockSpec((_EB, DE), lambda i: (i, 0)),
            pl.BlockSpec((DE, D), lambda i: (0, 0)),
            pl.BlockSpec((DE, DE), lambda i: (0, 0)),
            pl.BlockSpec((1, DE), lambda i: (0, 0)),
        ],
        out_specs=pl.BlockSpec((_EB, D // 2 + DE), lambda i: (i, 0)),
        out_shape=jax.ShapeDtypeStruct((E, D // 2 + DE), jnp.float32),
    )(e, P_w2, W_w1, W_b.reshape(1, DE))

    e_new, aggd = _sc_edge(src, tgt, hp, epw, hws, hwt)

    h_new = pl.pallas_call(
        _finish_body,
        grid=(N // _NB,),
        in_specs=[
            pl.BlockSpec((_NB, D), lambda i: (i, 0)),
            pl.BlockSpec((_NB, AGGW), lambda i: (i, 0)),
            pl.BlockSpec((_NB, AGGW), lambda i: (i, 0)),
            pl.BlockSpec((2 * D, D), lambda i: (0, 0)),
            pl.BlockSpec((1, D), lambda i: (0, 0)),
        ],
        out_specs=pl.BlockSpec((_NB, D), lambda i: (i, 0)),
        out_shape=jax.ShapeDtypeStruct((N, D), jnp.float32),
    )(h, aggd[0], aggd[1], Q_w, Q_b.reshape(1, D))

    return (h_new, e_new)

# --- scband reference (transcript-rebuilt; emitter-appended) ---
"""Pipeline reference for scband-grapelayer-31207232372751 (READ-ONLY COPY).

The authoritative reference and input builder live on the scoring server;
editing this copy changes nothing except your own understanding.
"""

import jax, jax.numpy as jnp
import numpy as np

N = 10000
E = 320000
D = 128
DE = 16

def setup_inputs(seed: int = 0) -> dict:
    key = jax.random.key(seed)
    ks = jax.random.split(key, 9)
    h = jax.random.normal(ks[0], (N, D), dtype=jnp.float32)
    e = jax.random.normal(ks[1], (E, DE), dtype=jnp.float32)
    edge_index = jax.random.randint(ks[2], (2, E), 0, N, dtype=jnp.int32)
    # Linear P: in = node_dim + edge_dim = 144, out = node_dim = 128
    P_w = jax.random.normal(ks[3], (D + DE, D), dtype=jnp.float32) * 0.05
    P_b = jax.random.normal(ks[4], (D,), dtype=jnp.float32) * 0.05
    # Linear Q: in = 2*node_dim = 256, out = node_dim = 128
    Q_w = jax.random.normal(ks[5], (2 * D, D), dtype=jnp.float32) * 0.05
    Q_b = jax.random.normal(ks[6], (D,), dtype=jnp.float32) * 0.05
    # Linear W: in = 2*node_dim + edge_dim = 272, out = edge_dim = 16
    W_w = jax.random.normal(ks[7], (2 * D + DE, DE), dtype=jnp.float32) * 0.05
    W_b = jax.random.normal(ks[8], (DE,), dtype=jnp.float32) * 0.05
    return {"h": h, "e": e, "edge_index": edge_index,
            "P_w": P_w, "P_b": P_b, "Q_w": Q_w, "Q_b": Q_b,
            "W_w": W_w, "W_b": W_b}

def reference(h, e, edge_index, P_w, P_b, Q_w, Q_b, W_w, W_b):
    source = edge_index[0]
    target = edge_index[1]
    h_u = jnp.take(h, source, axis=0)
    h_v = jnp.take(h, target, axis=0)
    message_input = jnp.concatenate([h_u, e], axis=-1)
    messages = jax.nn.relu(message_input @ P_w + P_b)
    aggregated = jnp.zeros_like(h).at[target].add(messages)
    deg = jnp.bincount(target, length=h.shape[0])[:, None]
    aggregated = aggregated / deg
    node_input = jnp.concatenate([h, aggregated], axis=-1)
    h_new = jax.nn.relu(node_input @ Q_w + Q_b)
    edge_input = jnp.concatenate([e, h_u, h_v], axis=-1)
    e_new = jax.nn.relu(edge_input @ W_w + W_b)
    return (h_new, e_new)

if __name__ == "__main__":
    import jax
    _d = setup_inputs()
    print(jax.jit(kernel)(*tuple(_d.values())))

</pallas_src>

<mosaic_0001>
#map = affine_map<(d0, d1) -> (0)>
#map1 = affine_map<(d0, d1) -> (0, 0)>
#map2 = affine_map<(d0, d1) -> (0, 0, 0)>
module attributes {stable_mosaic.version = 14 : i64} {
  func.func @_sc_edge(%arg0: i32, %arg1: i32, %arg2: memref<320000xi32, #tpu.memory_space<hbm>>, %arg3: memref<320000xi32, #tpu.memory_space<hbm>>, %arg4: memref<10000x64xf32, #tpu.memory_space<hbm>>, %arg5: memref<320000x80xf32, #tpu.memory_space<hbm>>, %arg6: memref<10000x16xf32, #tpu.memory_space<hbm>>, %arg7: memref<10000x16xf32, #tpu.memory_space<hbm>>, %arg8: memref<320000x16xf32, #tpu.memory_space<hbm>>, %arg9: memref<2x10240x144xf32, #tpu.memory_space<hbm>>, %arg10: memref<2x40xi32, #tpu.memory_space<vmem>>, %arg11: memref<4x40xi32, #tpu.memory_space<vmem>>, %arg12: memref<2x40x64xf32, #tpu.memory_space<vmem>>, %arg13: memref<2x40x80xf32, #tpu.memory_space<vmem>>, %arg14: memref<2x40x144xf32, #tpu.memory_space<vmem>>, %arg15: memref<2x40x16xf32, #tpu.memory_space<vmem>>, %arg16: memref<2x40x16xf32, #tpu.memory_space<vmem>>, %arg17: memref<2x40x16xf32, #tpu.memory_space<vmem>>, %arg18: memref<10240x144xf32, #tpu.memory_space<vmem_shared>>, %arg19: memref<2x!tpu.dma_semaphore, #tpu.memory_space<semaphore_mem>>, %arg20: memref<2x!tpu.dma_semaphore, #tpu.memory_space<semaphore_mem>>, %arg21: memref<2x!tpu.dma_semaphore, #tpu.memory_space<semaphore_mem>>, %arg22: memref<2x!tpu.dma_semaphore, #tpu.memory_space<semaphore_mem>>) attributes {dimension_semantics = [#tpu.dimension_semantics<core_parallel>, #tpu.dimension_semantics<subcore_parallel>], iteration_bounds = array<i64: 2, 16>, scalar_prefetch = 0 : i64, scratch_operands = 13 : i64, tpu.core_type = #tpu.core_type<sc_vector_subcore>, window_params = [{transform_indices = #map}, {transform_indices = #map}, {transform_indices = #map1}, {transform_indices = #map1}, {transform_indices = #map1}, {transform_indices = #map1}, {transform_indices = #map1}, {transform_indices = #map2}]} {
    %mul3A = arith.constant 2 : i32
    %mul3A_0 = arith.muli %arg1, %mul3A : i32
    %add3A = arith.addi %mul3A_0, %arg0 : i32
    %mul3A_1 = arith.constant 10000 : i32
    %mul3A_2 = arith.muli %add3A, %mul3A_1 : i32
    %iota3A = tpu.iota {dimensions = array<i32: 0>} : vector<16xi32>
    %eq3A = arith.constant 0 : i32
    %eq3A_3 = vector.broadcast %eq3A : i32 to vector<16xi32>
    %eq3A_4 = arith.cmpi eq, %iota3A, %eq3A_3 : vector<16xi32>
    %jit3A = arith.constant 1.000000e+00 : f32
    %jit3A_5 = arith.constant 0.000000e+00 : f32
    %broadcast_in_dim3A = vector.broadcast %jit3A : f32 to vector<16xf32>
    %broadcast_in_dim3A_6 = vector.broadcast %jit3A_5 : f32 to vector<16xf32>
    %select_n3A = arith.select %eq3A_4, %broadcast_in_dim3A, %broadcast_in_dim3A_6 : vector<16xi1>, vector<16xf32>
    %broadcast_in_dim3A_7 = arith.constant 0.000000e+00 : f32
    %broadcast_in_dim3A_8 = vector.broadcast %broadcast_in_dim3A_7 : f32 to vector<16xf32>
    %scan3A = arith.constant 0 : i32
    %scan3A_9 = arith.constant 0 : i32
    %scan3A_10 = arith.constant 40 : i32
    %scan3A_11 = arith.addi %scan3A_9, %scan3A_10 : i32
    %scan3A_12 = arith.constant 1 : i32
    scf.for %scan3A_229 = %scan3A_9 to %scan3A_11 step %scan3A_12  : i32 {
      %swap3A = arith.constant 0 : i32
      %swap3A_230 = arith.index_cast %swap3A : i32 to index
      %swap3A_231 = arith.index_cast %scan3A_229 : i32 to index
      %swap3A_232 = arith.constant 0 : index
      %swap3A_233 = tpu.vector_load %arg14[%swap3A_230, %swap3A_231, %swap3A_232] {strides = array<i32>} : memref<2x40x144xf32, #tpu.memory_space<vmem>>, vector<16xf32>,
      tpu.vector_store %arg14[%swap3A_230, %swap3A_231, %swap3A_232], %broadcast_in_dim3A_8 {strides = array<i32>} : memref<2x40x144xf32, #tpu.memory_space<vmem>>, vector<16xf32>,
      %swap3A_234 = arith.constant 0 : i32
      %swap3A_235 = arith.index_cast %swap3A_234 : i32 to index
      %swap3A_236 = arith.index_cast %scan3A_229 : i32 to index
      %swap3A_237 = arith.constant 16 : index
      %swap3A_238 = tpu.vector_load %arg14[%swap3A_235, %swap3A_236, %swap3A_237] {strides = array<i32>} : memref<2x40x144xf32, #tpu.memory_space<vmem>>, vector<16xf32>,
      tpu.vector_store %arg14[%swap3A_235, %swap3A_236, %swap3A_237], %broadcast_in_dim3A_8 {strides = array<i32>} : memref<2x40x144xf32, #tpu.memory_space<vmem>>, vector<16xf32>,
      %swap3A_239 = arith.constant 0 : i32
      %swap3A_240 = arith.index_cast %swap3A_239 : i32 to index
      %swap3A_241 = arith.index_cast %scan3A_229 : i32 to index
      %swap3A_242 = arith.constant 32 : index
      %swap3A_243 = tpu.vector_load %arg14[%swap3A_240, %swap3A_241, %swap3A_242] {strides = array<i32>} : memref<2x40x144xf32, #tpu.memory_space<vmem>>, vector<16xf32>,
      tpu.vector_store %arg14[%swap3A_240, %swap3A_241, %swap3A_242], %broadcast_in_dim3A_8 {strides = array<i32>} : memref<2x40x144xf32, #tpu.memory_space<vmem>>, vector<16xf32>,
      %swap3A_244 = arith.constant 0 : i32
      %swap3A_245 = arith.index_cast %swap3A_244 : i32 to index
      %swap3A_246 = arith.index_cast %scan3A_229 : i32 to index
      %swap3A_247 = arith.constant 48 : index
      %swap3A_248 = tpu.vector_load %arg14[%swap3A_245, %swap3A_246, %swap3A_247] {strides = array<i32>} : memref<2x40x144xf32, #tpu.memory_space<vmem>>, vector<16xf32>,
      tpu.vector_store %arg14[%swap3A_245, %swap3A_246, %swap3A_247], %broadcast_in_dim3A_8 {strides = array<i32>} : memref<2x40x144xf32, #tpu.memory_space<vmem>>, vector<16xf32>,
      %swap3A_249 = arith.constant 0 : i32
      %swap3A_250 = arith.index_cast %swap3A_249 : i32 to index
      %swap3A_251 = arith.index_cast %scan3A_229 : i32 to index
      %swap3A_252 = arith.constant 64 : index
      %swap3A_253 = tpu.vector_load %arg14[%swap3A_250, %swap3A_251, %swap3A_252] {strides = array<i32>} : memref<2x40x144xf32, #tpu.memory_space<vmem>>, vector<16xf32>,
      tpu.vector_store %arg14[%swap3A_250, %swap3A_251, %swap3A_252], %broadcast_in_dim3A_8 {strides = array<i32>} : memref<2x40x144xf32, #tpu.memory_space<vmem>>, vector<16xf32>,
      %swap3A_254 = arith.constant 0 : i32
      %swap3A_255 = arith.index_cast %swap3A_254 : i32 to index
      %swap3A_256 = arith.index_cast %scan3A_229 : i32 to index
      %swap3A_257 = arith.constant 80 : index
      %swap3A_258 = tpu.vector_load %arg14[%swap3A_255, %swap3A_256, %swap3A_257] {strides = array<i32>} : memref<2x40x144xf32, #tpu.memory_space<vmem>>, vector<16xf32>,
      tpu.vector_store %arg14[%swap3A_255, %swap3A_256, %swap3A_257], %broadcast_in_dim3A_8 {strides = array<i32>} : memref<2x40x144xf32, #tpu.memory_space<vmem>>, vector<16xf32>,
      %swap3A_259 = arith.constant 0 : i32
      %swap3A_260 = arith.index_cast %swap3A_259 : i32 to index
      %swap3A_261 = arith.index_cast %scan3A_229 : i32 to index
      %swap3A_262 = arith.constant 96 : index
      %swap3A_263 = tpu.vector_load %arg14[%swap3A_260, %swap3A_261, %swap3A_262] {strides = array<i32>} : memref<2x40x144xf32, #tpu.memory_space<vmem>>, vector<16xf32>,
      tpu.vector_store %arg14[%swap3A_260, %swap3A_261, %swap3A_262], %broadcast_in_dim3A_8 {strides = array<i32>} : memref<2x40x144xf32, #tpu.memory_space<vmem>>, vector<16xf32>,
      %swap3A_264 = arith.constant 0 : i32
      %swap3A_265 = arith.index_cast %swap3A_264 : i32 to index
      %swap3A_266 = arith.index_cast %scan3A_229 : i32 to index
      %swap3A_267 = arith.constant 112 : index
      %swap3A_268 = tpu.vector_load %arg14[%swap3A_265, %swap3A_266, %swap3A_267] {strides = array<i32>} : memref<2x40x144xf32, #tpu.memory_space<vmem>>, vector<16xf32>,
      tpu.vector_store %arg14[%swap3A_265, %swap3A_266, %swap3A_267], %broadcast_in_dim3A_8 {strides = array<i32>} : memref<2x40x144xf32, #tpu.memory_space<vmem>>, vector<16xf32>,
      %swap3A_269 = arith.constant 0 : i32
      %swap3A_270 = arith.index_cast %swap3A_269 : i32 to index
      %swap3A_271 = arith.index_cast %scan3A_229 : i32 to index
      %swap3A_272 = arith.constant 128 : index
      %swap3A_273 = tpu.vector_load %arg14[%swap3A_270, %swap3A_271, %swap3A_272] {strides = array<i32>} : memref<2x40x144xf32, #tpu.memory_space<vmem>>, vector<16xf32>,
      tpu.vector_store %arg14[%swap3A_270, %swap3A_271, %swap3A_272], %broadcast_in_dim3A_8 {strides = array<i32>} : memref<2x40x144xf32, #tpu.memory_space<vmem>>, vector<16xf32>,
    }
    %scan3A_13 = arith.constant 40 : i32
    %scan3A_14 = arith.constant 0 : i32
    %scan3A_15 = arith.constant 0 : i32
    %scan3A_16 = arith.constant 16 : i32
    %scan3A_17 = arith.addi %scan3A_15, %scan3A_16 : i32
    %scan3A_18 = arith.constant 1 : i32
    scf.for %scan3A_229 = %scan3A_15 to %scan3A_17 step %scan3A_18  : i32 {
      %mul3A_230 = arith.constant 640 : i32
      %mul3A_231 = arith.muli %arg1, %mul3A_230 : i32
      %mul3A_232 = arith.constant 40 : i32
      %mul3A_233 = arith.muli %scan3A_229, %mul3A_232 : i32
      %add3A_234 = arith.addi %mul3A_231, %mul3A_233 : i32
      %multiple_of3A_235 = tpu.assume_multiple %add3A_234, 8 : i32
      %run_scoped3A = arith.constant 0 : i32
      "tpu.region"() ({
        %run_scoped3A_236 = tpu.sem_alloc : memref<!tpu.dma_semaphore, #tpu.memory_space<semaphore_mem>>
        %dma_start3A_237 = arith.constant 0 : i32
        %dma_start3A_238 = arith.constant 0 : i32
        %dma_start3A_239 = tpu.memref_slice %arg14[%run_scoped3A, %dma_start3A_237, %dma_start3A_238] : memref<2x40x144xf32, #tpu.memory_space<vmem>> -> memref<1x40x144xf32, #tpu.memory_space<vmem>>
        %dma_start3A_240 = tpu.memref_squeeze %dma_start3A_239 : memref<1x40x144xf32, #tpu.memory_space<vmem>> -> memref<40x144xf32, #tpu.memory_space<vmem>>
        %dma_start3A_241 = arith.constant 0 : i32
        %dma_start3A_242 = tpu.memref_slice %arg18[%multiple_of3A_235, %dma_start3A_241] : memref<10240x144xf32, #tpu.memory_space<vmem_shared>> -> memref<40x144xf32, #tpu.memory_space<vmem_shared>>
        %dma_start3A_243 = arith.constant 0 : i32
        %dma_start3A_244 = tpu.memref_slice %arg18[%multiple_of3A_235, %dma_start3A_243] : memref<10240x144xf32, #tpu.memory_space<vmem_shared>> -> memref<40x144xf32, #tpu.memory_space<vmem_shared>>
        %dma_start3A_245 = arith.constant 0 : i32
        %dma_start3A_246 = arith.constant 0 : i32
        %dma_start3A_247 = tpu.memref_slice %arg14[%run_scoped3A, %dma_start3A_245, %dma_start3A_246] : memref<2x40x144xf32, #tpu.memory_space<vmem>> -> memref<1x40x144xf32, #tpu.memory_space<vmem>>
        %dma_start3A_248 = tpu.memref_squeeze %dma_start3A_247 : memref<1x40x144xf32, #tpu.memory_space<vmem>> -> memref<40x144xf32, #tpu.memory_space<vmem>>
        tpu.enqueue_dma source(%dma_start3A_248 : memref<40x144xf32, #tpu.memory_space<vmem>>) target(%dma_start3A_244 : memref<40x144xf32, #tpu.memory_space<vmem_shared>>) target_semaphore(%run_scoped3A_236 : memref<!tpu.dma_semaphore, #tpu.memory_space<semaphore_mem>>)
        %dma_wait3A_249 = arith.constant 0 : i32
        %dma_wait3A_250 = arith.constant 0 : i32
        %dma_wait3A_251 = tpu.memref_slice %arg14[%run_scoped3A, %dma_wait3A_249, %dma_wait3A_250] : memref<2x40x144xf32, #tpu.memory_space<vmem>> -> memref<1x40x144xf32, #tpu.memory_space<vmem>>
        %dma_wait3A_252 = tpu.memref_squeeze %dma_wait3A_251 : memref<1x40x144xf32, #tpu.memory_space<vmem>> -> memref<40x144xf32, #tpu.memory_space<vmem>>
        %dma_wait3A_253 = arith.constant 0 : i32
        %dma_wait3A_254 = tpu.memref_slice %arg18[%multiple_of3A_235, %dma_wait3A_253] : memref<10240x144xf32, #tpu.memory_space<vmem_shared>> -> memref<40x144xf32, #tpu.memory_space<vmem_shared>>
        %dma_wait3A_255 = arith.constant 0 : i32
        %dma_wait3A_256 = tpu.memref_slice %arg18[%multiple_of3A_235, %dma_wait3A_255] : memref<10240x144xf32, #tpu.memory_space<vmem_shared>> -> memref<40x144xf32, #tpu.memory_space<vmem_shared>>
        %dma_wait3A_257 = arith.constant 0 : i32
        %dma_wait3A_258 = arith.constant 0 : i32
        %dma_wait3A_259 = tpu.memref_slice %arg14[%run_scoped3A, %dma_wait3A_257, %dma_wait3A_258] : memref<2x40x144xf32, #tpu.memory_space<vmem>> -> memref<1x40x144xf32, #tpu.memory_space<vmem>>
        %dma_wait3A_260 = tpu.memref_squeeze %dma_wait3A_259 : memref<1x40x144xf32, #tpu.memory_space<vmem>> -> memref<40x144xf32, #tpu.memory_space<vmem>>
        tpu.wait_dma2 semaphore(%run_scoped3A_236 : memref<!tpu.dma_semaphore, #tpu.memory_space<semaphore_mem>>) src(%dma_wait3A_260 : memref<40x144xf32, #tpu.memory_space<vmem>>) dst(%dma_wait3A_256 : memref<40x144xf32, #tpu.memory_space<vmem_shared>>)
        tpu.yield
      }) : () -> ()
    }
    %scan3A_19 = arith.constant 16 : i32
    %scan3A_20 = arith.constant 0 : i32
    %scan3A_21 = arith.constant 0 : i32
    %scan3A_22 = arith.constant 40 : i32
    %scan3A_23 = arith.addi %scan3A_21, %scan3A_22 : i32
    %scan3A_24 = arith.constant 1 : i32
    scf.for %scan3A_229 = %scan3A_21 to %scan3A_23 step %scan3A_24  : i32 {
      %swap3A = arith.constant 0 : i32
      %swap3A_230 = arith.index_cast %swap3A : i32 to index
      %swap3A_231 = arith.index_cast %scan3A_229 : i32 to index
      %swap3A_232 = arith.constant 128 : index
      %swap3A_233 = tpu.vector_load %arg14[%swap3A_230, %swap3A_231, %swap3A_232] {strides = array<i32>} : memref<2x40x144xf32, #tpu.memory_space<vmem>>, vector<16xf32>,
      tpu.vector_store %arg14[%swap3A_230, %swap3A_231, %swap3A_232], %select_n3A {strides = array<i32>} : memref<2x40x144xf32, #tpu.memory_space<vmem>>, vector<16xf32>,
      %swap3A_234 = arith.constant 1 : i32
      %swap3A_235 = arith.index_cast %swap3A_234 : i32 to index
      %swap3A_236 = arith.index_cast %scan3A_229 : i32 to index
      %swap3A_237 = arith.constant 128 : index
      %swap3A_238 = tpu.vector_load %arg14[%swap3A_235, %swap3A_236, %swap3A_237] {strides = array<i32>} : memref<2x40x144xf32, #tpu.memory_space<vmem>>, vector<16xf32>,
      tpu.vector_store %arg14[%swap3A_235, %swap3A_236, %swap3A_237], %select_n3A {strides = array<i32>} : memref<2x40x144xf32, #tpu.memory_space<vmem>>, vector<16xf32>,
    }
    %scan3A_25 = arith.constant 40 : i32
    %barrier3A = arith.constant 0 : index
    tpu.barrier barrier_id(%barrier3A)
    %broadcast_in_dim3A_26 = arith.constant 0.000000e+00 : bf16
    %broadcast_in_dim3A_27 = vector.broadcast %broadcast_in_dim3A_26 : bf16 to vector<32xbf16>
    %add3A_28 = arith.constant 0 : i32
    %add3A_29 = arith.addi %mul3A_2, %add3A_28 : i32
    %multiple_of3A = tpu.assume_multiple %add3A_29, 8 : i32
    %dma_start3A = arith.constant 0 : i32
    %dma_start3A_30 = arith.constant 0 : i32
    %dma_start3A_31 = arith.constant 0 : i32
    %dma_start3A_32 = tpu.memref_slice %arg10[%dma_start3A, %dma_start3A_31] : memref<2x40xi32, #tpu.memory_space<vmem>> -> memref<1x40xi32, #tpu.memory_space<vmem>>
    %dma_start3A_33 = tpu.memref_squeeze %dma_start3A_32 : memref<1x40xi32, #tpu.memory_space<vmem>> -> memref<40xi32, #tpu.memory_space<vmem>>
    %dma_start3A_34 = tpu.memref_slice %arg2[%multiple_of3A] : memref<320000xi32, #tpu.memory_space<hbm>> -> memref<40xi32, #tpu.memory_space<hbm>>
    %dma_start3A_35 = tpu.memref_slice %arg19[%dma_start3A_30] : memref<2x!tpu.dma_semaphore, #tpu.memory_space<semaphore_mem>> -> memref<1x!tpu.dma_semaphore, #tpu.memory_space<semaphore_mem>>
    %dma_start3A_36 = tpu.memref_squeeze %dma_start3A_35 : memref<1x!tpu.dma_semaphore, #tpu.memory_space<semaphore_mem>> -> memref<!tpu.dma_semaphore, #tpu.memory_space<semaphore_mem>>
    %dma_start3A_37 = arith.constant 0 : i32
    %dma_start3A_38 = tpu.memref_slice %arg10[%dma_start3A, %dma_start3A_37] : memref<2x40xi32, #tpu.memory_space<vmem>> -> memref<1x40xi32, #tpu.memory_space<vmem>>
    %dma_start3A_39 = tpu.memref_squeeze %dma_start3A_38 : memref<1x40xi32, #tpu.memory_space<vmem>> -> memref<40xi32, #tpu.memory_space<vmem>>
    %dma_start3A_40 = tpu.memref_slice %arg2[%multiple_of3A] : memref<320000xi32, #tpu.memory_space<hbm>> -> memref<40xi32, #tpu.memory_space<hbm>>
    tpu.enqueue_dma source(%dma_start3A_40 : memref<40xi32, #tpu.memory_space<hbm>>) target(%dma_start3A_39 : memref<40xi32, #tpu.memory_space<vmem>>) target_semaphore(%dma_start3A_36 : memref<!tpu.dma_semaphore, #tpu.memory_space<semaphore_mem>>)
    %dma_start3A_41 = arith.constant 0 : i32
    %dma_start3A_42 = arith.constant 0 : i32
    %dma_start3A_43 = arith.constant 0 : i32
    %dma_start3A_44 = tpu.memref_slice %arg11[%dma_start3A_41, %dma_start3A_43] : memref<4x40xi32, #tpu.memory_space<vmem>> -> memref<1x40xi32, #tpu.memory_space<vmem>>
    %dma_start3A_45 = tpu.memref_squeeze %dma_start3A_44 : memref<1x40xi32, #tpu.memory_space<vmem>> -> memref<40xi32, #tpu.memory_space<vmem>>
    %dma_start3A_46 = tpu.memref_slice %arg3[%multiple_of3A] : memref<320000xi32, #tpu.memory_space<hbm>> -> memref<40xi32, #tpu.memory_space<hbm>>
    %dma_start3A_47 = tpu.memref_slice %arg19[%dma_start3A_42] : memref<2x!tpu.dma_semaphore, #tpu.memory_space<semaphore_mem>> -> memref<1x!tpu.dma_semaphore, #tpu.memory_space<semaphore_mem>>
    %dma_start3A_48 = tpu.memref_squeeze %dma_start3A_47 : memref<1x!tpu.dma_semaphore, #tpu.memory_space<semaphore_mem>> -> memref<!tpu.dma_semaphore, #tpu.memory_space<semaphore_mem>>
    %dma_start3A_49 = arith.constant 0 : i32
    %dma_start3A_50 = tpu.memref_slice %arg11[%dma_start3A_41, %dma_start3A_49] : memref<4x40xi32, #tpu.memory_space<vmem>> -> memref<1x40xi32, #tpu.memory_space<vmem>>
    %dma_start3A_51 = tpu.memref_squeeze %dma_start3A_50 : memref<1x40xi32, #tpu.memory_space<vmem>> -> memref<40xi32, #tpu.memory_space<vmem>>
    %dma_start3A_52 = tpu.memref_slice %arg3[%multiple_of3A] : memref<320000xi32, #tpu.memory_space<hbm>> -> memref<40xi32, #tpu.memory_space<hbm>>
    tpu.enqueue_dma source(%dma_start3A_52 : memref<40xi32, #tpu.memory_space<hbm>>) target(%dma_start3A_51 : memref<40xi32, #tpu.memory_space<vmem>>) target_semaphore(%dma_start3A_48 : memref<!tpu.dma_semaphore, #tpu.memory_space<semaphore_mem>>)
    %dma_wait3A = arith.constant 0 : i32
    %dma_wait3A_53 = arith.constant 0 : i32
    %dma_wait3A_54 = arith.constant 0 : i32
    %dma_wait3A_55 = tpu.memref_slice %arg10[%dma_wait3A, %dma_wait3A_54] : memref<2x40xi32, #tpu.memory_space<vmem>> -> memref<1x40xi32, #tpu.memory_space<vmem>>
    %dma_wait3A_56 = tpu.memref_squeeze %dma_wait3A_55 : memref<1x40xi32, #tpu.memory_space<vmem>> -> memref<40xi32, #tpu.memory_space<vmem>>
    %dma_wait3A_57 = arith.constant 0 : i32
    %dma_wait3A_58 = tpu.memref_slice %arg2[%dma_wait3A_57] : memref<320000xi32, #tpu.memory_space<hbm>> -> memref<40xi32, #tpu.memory_space<hbm>>
    %dma_wait3A_59 = tpu.memref_slice %arg19[%dma_wait3A_53] : memref<2x!tpu.dma_semaphore, #tpu.memory_space<semaphore_mem>> -> memref<1x!tpu.dma_semaphore, #tpu.memory_space<semaphore_mem>>
    %dma_wait3A_60 = tpu.memref_squeeze %dma_wait3A_59 : memref<1x!tpu.dma_semaphore, #tpu.memory_space<semaphore_mem>> -> memref<!tpu.dma_semaphore, #tpu.memory_space<semaphore_mem>>
    %dma_wait3A_61 = arith.constant 0 : i32
    %dma_wait3A_62 = tpu.memref_slice %arg10[%dma_wait3A, %dma_wait3A_61] : memref<2x40xi32, #tpu.memory_space<vmem>> -> memref<1x40xi32, #tpu.memory_space<vmem>>
    %dma_wait3A_63 = tpu.memref_squeeze %dma_wait3A_62 : memref<1x40xi32, #tpu.memory_space<vmem>> -> memref<40xi32, #tpu.memory_space<vmem>>
    %dma_wait3A_64 = arith.constant 0 : i32
    %dma_wait3A_65 = tpu.memref_slice %arg2[%dma_wait3A_64] : memref<320000xi32, #tpu.memory_space<hbm>> -> memref<40xi32, #tpu.memory_space<hbm>>
    tpu.wait_dma2 semaphore(%dma_wait3A_60 : memref<!tpu.dma_semaphore, #tpu.memory_space<semaphore_mem>>) src(%dma_wait3A_65 : memref<40xi32, #tpu.memory_space<hbm>>) dst(%dma_wait3A_63 : memref<40xi32, #tpu.memory_space<vmem>>)
    %dma_wait3A_66 = arith.constant 0 : i32
    %dma_wait3A_67 = arith.constant 0 : i32
    %dma_wait3A_68 = arith.constant 0 : i32
    %dma_wait3A_69 = tpu.memref_slice %arg10[%dma_wait3A_66, %dma_wait3A_68] : memref<2x40xi32, #tpu.memory_space<vmem>> -> memref<1x40xi32, #tpu.memory_space<vmem>>
    %dma_wait3A_70 = tpu.memref_squeeze %dma_wait3A_69 : memref<1x40xi32, #tpu.memory_space<vmem>> -> memref<40xi32, #tpu.memory_space<vmem>>
    %dma_wait3A_71 = arith.constant 0 : i32
    %dma_wait3A_72 = tpu.memref_slice %arg3[%dma_wait3A_71] : memref<320000xi32, #tpu.memory_space<hbm>> -> memref<40xi32, #tpu.memory_space<hbm>>
    %dma_wait3A_73 = tpu.memref_slice %arg19[%dma_wait3A_67] : memref<2x!tpu.dma_semaphore, #tpu.memory_space<semaphore_mem>> -> memref<1x!tpu.dma_semaphore, #tpu.memory_space<semaphore_mem>>
    %dma_wait3A_74 = tpu.memref_squeeze %dma_wait3A_73 : memref<1x!tpu.dma_semaphore, #tpu.memory_space<semaphore_mem>> -> memref<!tpu.dma_semaphore, #tpu.memory_space<semaphore_mem>>
    %dma_wait3A_75 = arith.constant 0 : i32
    %dma_wait3A_76 = tpu.memref_slice %arg10[%dma_wait3A_66, %dma_wait3A_75] : memref<2x40xi32, #tpu.memory_space<vmem>> -> memref<1x40xi32, #tpu.memory_space<vmem>>
    %dma_wait3A_77 = tpu.memref_squeeze %dma_wait3A_76 : memref<1x40xi32, #tpu.memory_space<vmem>> -> memref<40xi32, #tpu.memory_space<vmem>>
    %dma_wait3A_78 = arith.constant 0 : i32
    %dma_wait3A_79 = tpu.memref_slice %arg3[%dma_wait3A_78] : memref<320000xi32, #tpu.memory_space<hbm>> -> memref<40xi32, #tpu.memory_space<hbm>>
    tpu.wait_dma2 semaphore(%dma_wait3A_74 : memref<!tpu.dma_semaphore, #tpu.memory_space<semaphore_mem>>) src(%dma_wait3A_79 : memref<40xi32, #tpu.memory_space<hbm>>) dst(%dma_wait3A_77 : memref<40xi32, #tpu.memory_space<vmem>>)
    %add3A_80 = arith.constant 0 : i32
    %add3A_81 = arith.addi %mul3A_2, %add3A_80 : i32
    %multiple_of3A_82 = tpu.assume_multiple %add3A_81, 8 : i32
    %dma_start3A_83 = arith.constant 0 : i32
    %dma_start3A_84 = arith.constant 0 : i32
    %dma_start3A_85 = arith.constant 0 : i32
    %dma_start3A_86 = arith.constant 0 : i32
    %dma_start3A_87 = arith.constant 0 : i32
    %dma_start3A_88 = tpu.memref_slice %arg12[%dma_start3A_84, %dma_start3A_86, %dma_start3A_87] : memref<2x40x64xf32, #tpu.memory_space<vmem>> -> memref<1x40x64xf32, #tpu.memory_space<vmem>>
    %dma_start3A_89 = tpu.memref_squeeze %dma_start3A_88 : memref<1x40x64xf32, #tpu.memory_space<vmem>> -> memref<40x64xf32, #tpu.memory_space<vmem>>
    %dma_start3A_90 = arith.constant 0 : i32
    %dma_start3A_91 = tpu.memref_slice %arg10[%dma_start3A_83, %dma_start3A_90] : memref<2x40xi32, #tpu.memory_space<vmem>> -> memref<1x40xi32, #tpu.memory_space<vmem>>
    %dma_start3A_92 = tpu.memref_squeeze %dma_start3A_91 : memref<1x40xi32, #tpu.memory_space<vmem>> -> memref<40xi32, #tpu.memory_space<vmem>>
    %dma_start3A_93 = arith.constant 0 : i32
    %dma_start3A_94 = arith.constant 0 : i32
    %dma_start3A_95 = tpu.memref_slice %arg4[%dma_start3A_93, %dma_start3A_94] : memref<10000x64xf32, #tpu.memory_space<hbm>> -> memref<10000x64xf32, #tpu.memory_space<hbm>>
    %dma_start3A_96 = tpu.memref_slice %arg20[%dma_start3A_85] : memref<2x!tpu.dma_semaphore, #tpu.memory_space<semaphore_mem>> -> memref<1x!tpu.dma_semaphore, #tpu.memory_space<semaphore_mem>>
    %dma_start3A_97 = tpu.memref_squeeze %dma_start3A_96 : memref<1x!tpu.dma_semaphore, #tpu.memory_space<semaphore_mem>> -> memref<!tpu.dma_semaphore, #tpu.memory_space<semaphore_mem>>
    tpu.enqueue_indirect_dma source(%dma_start3A_95 : memref<10000x64xf32, #tpu.memory_space<hbm>>) target(%dma_start3A_89 : memref<40x64xf32, #tpu.memory_space<vmem>>) offsets(%dma_start3A_92 : memref<40xi32, #tpu.memory_space<vmem>>) semaphore(%dma_start3A_97 : memref<!tpu.dma_semaphore, #tpu.memory_space<semaphore_mem>>)
    %dma_start3A_98 = arith.constant 0 : i32
    %dma_start3A_99 = arith.constant 0 : i32
    %dma_start3A_100 = arith.constant 0 : i32
    %dma_start3A_101 = arith.constant 0 : i32
    %dma_start3A_102 = tpu.memref_slice %arg13[%dma_start3A_98, %dma_start3A_100, %dma_start3A_101] : memref<2x40x80xf32, #tpu.memory_space<vmem>> -> memref<1x40x80xf32, #tpu.memory_space<vmem>>
    %dma_start3A_103 = tpu.memref_squeeze %dma_start3A_102 : memref<1x40x80xf32, #tpu.memory_space<vmem>> -> memref<40x80xf32, #tpu.memory_space<vmem>>
    %dma_start3A_104 = arith.constant 0 : i32
    %dma_start3A_105 = tpu.memref_slice %arg5[%multiple_of3A_82, %dma_start3A_104] : memref<320000x80xf32, #tpu.memory_space<hbm>> -> memref<40x80xf32, #tpu.memory_space<hbm>>
    %dma_start3A_106 = tpu.memref_slice %arg20[%dma_start3A_99] : memref<2x!tpu.dma_semaphore, #tpu.memory_space<semaphore_mem>> -> memref<1x!tpu.dma_semaphore, #tpu.memory_space<semaphore_mem>>
    %dma_start3A_107 = tpu.memref_squeeze %dma_start3A_106 : memref<1x!tpu.dma_semaphore, #tpu.memory_space<semaphore_mem>> -> memref<!tpu.dma_semaphore, #tpu.memory_space<semaphore_mem>>
    %dma_start3A_108 = arith.constant 0 : i32
    %dma_start3A_109 = arith.constant 0 : i32
    %dma_start3A_110 = tpu.memref_slice %arg13[%dma_start3A_98, %dma_start3A_108, %dma_start3A_109] : memref<2x40x80xf32, #tpu.memory_space<vmem>> -> memref<1x40x80xf32, #tpu.memory_space<vmem>>
    %dma_start3A_111 = tpu.memref_squeeze %dma_start3A_110 : memref<1x40x80xf32, #tpu.memory_space<vmem>> -> memref<40x80xf32, #tpu.memory_space<vmem>>
    %dma_start3A_112 = arith.constant 0 : i32
    %dma_start3A_113 = tpu.memref_slice %arg5[%multiple_of3A_82, %dma_start3A_112] : memref<320000x80xf32, #tpu.memory_space<hbm>> -> memref<40x80xf32, #tpu.memory_space<hbm>>
    tpu.enqueue_dma source(%dma_start3A_113 : memref<40x80xf32, #tpu.memory_space<hbm>>) target(%dma_start3A_111 : memref<40x80xf32, #tpu.memory_space<vmem>>) target_semaphore(%dma_start3A_107 : memref<!tpu.dma_semaphore, #tpu.memory_space<semaphore_mem>>)
    %dma_start3A_114 = arith.constant 0 : i32
    %dma_start3A_115 = arith.constant 0 : i32
    %dma_start3A_116 = arith.constant 0 : i32
    %dma_start3A_117 = arith.constant 0 : i32
    %dma_start3A_118 = arith.constant 0 : i32
    %dma_start3A_119 = tpu.memref_slice %arg15[%dma_start3A_115, %dma_start3A_117, %dma_start3A_118] : memref<2x40x16xf32, #tpu.memory_space<vmem>> -> memref<1x40x16xf32, #tpu.memory_space<vmem>>
    %dma_start3A_120 = tpu.memref_squeeze %dma_start3A_119 : memref<1x40x16xf32, #tpu.memory_space<vmem>> -> memref<40x16xf32, #tpu.memory_space<vmem>>
    %dma_start3A_121 = arith.constant 0 : i32
    %dma_start3A_122 = tpu.memref_slice %arg10[%dma_start3A_114, %dma_start3A_121] : memref<2x40xi32, #tpu.memory_space<vmem>> -> memref<1x40xi32, #tpu.memory_space<vmem>>
    %dma_start3A_123 = tpu.memref_squeeze %dma_start3A_122 : memref<1x40xi32, #tpu.memory_space<vmem>> -> memref<40xi32, #tpu.memory_space<vmem>>
    %dma_start3A_124 = arith.constant 0 : i32
    %dma_start3A_125 = arith.constant 0 : i32
    %dma_start3A_126 = tpu.memref_slice %arg6[%dma_start3A_124, %dma_start3A_125] : memref<10000x16xf32, #tpu.memory_space<hbm>> -> memref<10000x16xf32, #tpu.memory_space<hbm>>
    %dma_start3A_127 = tpu.memref_slice %arg20[%dma_start3A_116] : memref<2x!tpu.dma_semaphore, #tpu.memory_space<semaphore_mem>> -> memref<1x!tpu.dma_semaphore, #tpu.memory_space<semaphore_mem>>
    %dma_start3A_128 = tpu.memref_squeeze %dma_start3A_127 : memref<1x!tpu.dma_semaphore, #tpu.memory_space<semaphore_mem>> -> memref<!tpu.dma_semaphore, #tpu.memory_space<semaphore_mem>>
    tpu.enqueue_indirect_dma source(%dma_start3A_126 : memref<10000x16xf32, #tpu.memory_space<hbm>>) target(%dma_start3A_120 : memref<40x16xf32, #tpu.memory_space<vmem>>) offsets(%dma_start3A_123 : memref<40xi32, #tpu.memory_space<vmem>>) semaphore(%dma_start3A_128 : memref<!tpu.dma_semaphore, #tpu.memory_space<semaphore_mem>>)
    %dma_start3A_129 = arith.constant 0 : i32
    %dma_start3A_130 = arith.constant 0 : i32
    %dma_start3A_131 = arith.constant 0 : i32
    %dma_start3A_132 = arith.constant 0 : i32
    %dma_start3A_133 = arith.constant 0 : i32
    %dma_start3A_134 = tpu.memref_slice %arg16[%dma_start3A_130, %dma_start3A_132, %dma_start3A_133] : memref<2x40x16xf32, #tpu.memory_space<vmem>> -> memref<1x40x16xf32, #tpu.memory_space<vmem>>
    %dma_start3A_135 = tpu.memref_squeeze %dma_start3A_134 : memref<1x40x16xf32, #tpu.memory_space<vmem>> -> memref<40x16xf32, #tpu.memory_space<vmem>>
    %dma_start3A_136 = arith.constant 0 : i32
    %dma_start3A_137 = tpu.memref_slice %arg11[%dma_start3A_129, %dma_start3A_136] : memref<4x40xi32, #tpu.memory_space<vmem>> -> memref<1x40xi32, #tpu.memory_space<vmem>>
    %dma_start3A_138 = tpu.memref_squeeze %dma_start3A_137 : memref<1x40xi32, #tpu.memory_space<vmem>> -> memref<40xi32, #tpu.memory_space<vmem>>
    %dma_start3A_139 = arith.constant 0 : i32
    %dma_start3A_140 = arith.constant 0 : i32
    %dma_start3A_141 = tpu.memref_slice %arg7[%dma_start3A_139, %dma_start3A_140] : memref<10000x16xf32, #tpu.memory_space<hbm>> -> memref<10000x16xf32, #tpu.memory_space<hbm>>
    %dma_start3A_142 = tpu.memref_slice %arg20[%dma_start3A_131] : memref<2x!tpu.dma_semaphore, #tpu.memory_space<semaphore_mem>> -> memref<1x!tpu.dma_semaphore, #tpu.memory_space<semaphore_mem>>
    %dma_start3A_143 = tpu.memref_squeeze %dma_start3A_142 : memref<1x!tpu.dma_semaphore, #tpu.memory_space<semaphore_mem>> -> memref<!tpu.dma_semaphore, #tpu.memory_space<semaphore_mem>>
    tpu.enqueue_indirect_dma source(%dma_start3A_141 : memref<10000x16xf32, #tpu.memory_space<hbm>>) target(%dma_start3A_135 : memref<40x16xf32, #tpu.memory_space<vmem>>) offsets(%dma_start3A_138 : memref<40xi32, #tpu.memory_space<vmem>>) semaphore(%dma_start3A_143 : memref<!tpu.dma_semaphore, #tpu.memory_space<semaphore_mem>>)
    %add3A_144 = arith.constant 40 : i32
    %add3A_145 = arith.addi %mul3A_2, %add3A_144 : i32
    %multiple_of3A_146 = tpu.assume_multiple %add3A_145, 8 : i32
    %dma_start3A_147 = arith.constant 1 : i32
    %dma_start3A_148 = arith.constant 1 : i32
    %dma_start3A_149 = arith.constant 0 : i32
    %dma_start3A_150 = tpu.memref_slice %arg10[%dma_start3A_147, %dma_start3A_149] : memref<2x40xi32, #tpu.memory_space<vmem>> -> memref<1x40xi32, #tpu.memory_space<vmem>>
    %dma_start3A_151 = tpu.memref_squeeze %dma_start3A_150 : memref<1x40xi32, #tpu.memory_space<vmem>> -> memref<40xi32, #tpu.memory_space<vmem>>
    %dma_start3A_152 = tpu.memref_slice %arg2[%multiple_of3A_146] : memref<320000xi32, #tpu.memory_space<hbm>> -> memref<40xi32, #tpu.memory_space<hbm>>
    %dma_start3A_153 = tpu.memref_slice %arg19[%dma_start3A_148] : memref<2x!tpu.dma_semaphore, #tpu.memory_space<semaphore_mem>> -> memref<1x!tpu.dma_semaphore, #tpu.memory_space<semaphore_mem>>
    %dma_start3A_154 = tpu.memref_squeeze %dma_start3A_153 : memref<1x!tpu.dma_semaphore, #tpu.memory_space<semaphore_mem>> -> memref<!tpu.dma_semaphore, #tpu.memory_space<semaphore_mem>>
    %dma_start3A_155 = arith.constant 0 : i32
    %dma_start3A_156 = tpu.memref_slice %arg10[%dma_start3A_147, %dma_start3A_155] : memref<2x40xi32, #tpu.memory_space<vmem>> -> memref<1x40xi32, #tpu.memory_space<vmem>>
    %dma_start3A_157 = tpu.memref_squeeze %dma_start3A_156 : memref<1x40xi32, #tpu.memory_space<vmem>> -> memref<40xi32, #tpu.memory_space<vmem>>
    %dma_start3A_158 = tpu.memref_slice %arg2[%multiple_of3A_146] : memref<320000xi32, #tpu.memory_space<hbm>> -> memref<40xi32, #tpu.memory_space<hbm>>
    tpu.enqueue_dma source(%dma_start3A_158 : memref<40xi32, #tpu.memory_space<hbm>>) target(%dma_start3A_157 : memref<40xi32, #tpu.memory_space<vmem>>) target_semaphore(%dma_start3A_154 : memref<!tpu.dma_semaphore, #tpu.memory_space<semaphore_mem>>)
    %dma_start3A_159 = arith.constant 1 : i32
    %dma_start3A_160 = arith.constant 1 : i32
    %dma_start3A_161 = arith.constant 0 : i32
    %dma_start3A_162 = tpu.memref_slice %arg11[%dma_start3A_159, %dma_start3A_161] : memref<4x40xi32, #tpu.memory_space<vmem>> -> memref<1x40xi32, #tpu.memory_space<vmem>>
    %dma_start3A_163 = tpu.memref_squeeze %dma_start3A_162 : memref<1x40xi32, #tpu.memory_space<vmem>> -> memref<40xi32, #tpu.memory_space<vmem>>
    %dma_start3A_164 = tpu.memref_slice %arg3[%multiple_of3A_146] : memref<320000xi32, #tpu.memory_space<hbm>> -> memref<40xi32, #tpu.memory_space<hbm>>
    %dma_start3A_165 = tpu.memref_slice %arg19[%dma_start3A_160] : memref<2x!tpu.dma_semaphore, #tpu.memory_space<semaphore_mem>> -> memref<1x!tpu.dma_semaphore, #tpu.memory_space<semaphore_mem>>
    %dma_start3A_166 = tpu.memref_squeeze %dma_start3A_165 : memref<1x!tpu.dma_semaphore, #tpu.memory_space<semaphore_mem>> -> memref<!tpu.dma_semaphore, #tpu.memory_space<semaphore_mem>>
    %dma_start3A_167 = arith.constant 0 : i32
    %dma_start3A_168 = tpu.memref_slice %arg11[%dma_start3A_159, %dma_start3A_167] : memref<4x40xi32, #tpu.memory_space<vmem>> -> memref<1x40xi32, #tpu.memory_space<vmem>>
    %dma_start3A_169 = tpu.memref_squeeze %dma_start3A_168 : memref<1x40xi32, #tpu.memory_space<vmem>> -> memref<40xi32, #tpu.memory_space<vmem>>
    %dma_start3A_170 = tpu.memref_slice %arg3[%multiple_of3A_146] : memref<320000xi32, #tpu.memory_space<hbm>> -> memref<40xi32, #tpu.memory_space<hbm>>
    tpu.enqueue_dma source(%dma_start3A_170 : memref<40xi32, #tpu.memory_space<hbm>>) target(%dma_start3A_169 : memref<40xi32, #tpu.memory_space<vmem>>) target_semaphore(%dma_start3A_166 : memref<!tpu.dma_semaphore, #tpu.memory_space<semaphore_mem>>)
    %scan3A_171 = arith.constant 0 : i32
    %scan3A_172 = arith.constant 0 : i32
    %scan3A_173 = arith.constant 125 : i32
    %scan3A_174 = arith.addi %scan3A_172, %scan3A_173 : i32
    %scan3A_175 = arith.constant 1 : i32
    scf.for %scan3A_229 = %scan3A_172 to %scan3A_174 step %scan3A_175  : i32 {
      %rem3A = arith.constant 2 : i32
      %rem3A_230 = arith.remsi %scan3A_229, %rem3A : i32
      %mul3A_231 = arith.constant 2 : i32
      %mul3A_232 = arith.muli %mul3A_231, %rem3A_230 : i32
      %mul3A_233 = arith.constant 2 : i32
      %mul3A_234 = arith.muli %mul3A_233, %scan3A_229 : i32
      %add3A_235 = arith.constant 0 : i32
      %add3A_236 = arith.addi %mul3A_234, %add3A_235 : i32
      %add3A_237 = arith.constant 0 : i32
      %add3A_238 = arith.addi %mul3A_232, %add3A_237 : i32
      %add3A_239 = arith.constant 0 : i32
      %add3A_240 = arith.addi %mul3A_232, %add3A_239 : i32
      %add3A_241 = arith.constant 1 : i32
      %add3A_242 = arith.addi %add3A_240, %add3A_241 : i32
      %rem3A_243 = arith.constant 4 : i32
      %rem3A_244 = arith.remsi %add3A_242, %rem3A_243 : i32
      %add3A_245 = arith.constant 0 : i32
      %add3A_246 = arith.addi %mul3A_232, %add3A_245 : i32
      %add3A_247 = arith.constant 2 : i32
      %add3A_248 = arith.addi %add3A_246, %add3A_247 : i32
      %rem3A_249 = arith.constant 4 : i32
      %rem3A_250 = arith.remsi %add3A_248, %rem3A_249 : i32
      %gt3A = arith.constant 0 : i32
      %gt3A_251 = arith.cmpi sgt, %scan3A_229, %gt3A : i32
      %convert_element_type3A = arith.extui %gt3A_251 : i1 to i32
      %cond3A = arith.constant 0 : i32
      %cond3A_252 = arith.cmpi ne, %convert_element_type3A, %cond3A : i32
      scf.if %cond3A_252 {
        %dma_wait3A_649 = arith.constant 1 : i32
        %dma_wait3A_650 = arith.constant 1 : i32
        %dma_wait3A_651 = arith.constant 0 : i32
        %dma_wait3A_652 = arith.constant 0 : i32
        %dma_wait3A_653 = tpu.memref_slice %arg17[%dma_wait3A_649, %dma_wait3A_651, %dma_wait3A_652] : memref<2x40x16xf32, #tpu.memory_space<vmem>> -> memref<1x40x16xf32, #tpu.memory_space<vmem>>
        %dma_wait3A_654 = tpu.memref_squeeze %dma_wait3A_653 : memref<1x40x16xf32, #tpu.memory_space<vmem>> -> memref<40x16xf32, #tpu.memory_space<vmem>>
        %dma_wait3A_655 = arith.constant 0 : i32
        %dma_wait3A_656 = arith.constant 0 : i32
        %dma_wait3A_657 = tpu.memref_slice %arg8[%dma_wait3A_655, %dma_wait3A_656] : memref<320000x16xf32, #tpu.memory_space<hbm>> -> memref<40x16xf32, #tpu.memory_space<hbm>>
        %dma_wait3A_658 = tpu.memref_slice %arg21[%dma_wait3A_650] : memref<2x!tpu.dma_semaphore, #tpu.memory_space<semaphore_mem>> -> memref<1x!tpu.dma_semaphore, #tpu.memory_space<semaphore_mem>>
        %dma_wait3A_659 = tpu.memref_squeeze %dma_wait3A_658 : memref<1x!tpu.dma_semaphore, #tpu.memory_space<semaphore_mem>> -> memref<!tpu.dma_semaphore, #tpu.memory_space<semaphore_mem>>
        %dma_wait3A_660 = arith.constant 0 : i32
        %dma_wait3A_661 = arith.constant 0 : i32
        %dma_wait3A_662 = tpu.memref_slice %arg8[%dma_wait3A_660, %dma_wait3A_661] : memref<320000x16xf32, #tpu.memory_space<hbm>> -> memref<40x16xf32, #tpu.memory_space<hbm>>
        %dma_wait3A_663 = arith.constant 0 : i32
        %dma_wait3A_664 = arith.constant 0 : i32
        %dma_wait3A_665 = tpu.memref_slice %arg17[%dma_wait3A_649, %dma_wait3A_663, %dma_wait3A_664] : memref<2x40x16xf32, #tpu.memory_space<vmem>> -> memref<1x40x16xf32, #tpu.memory_space<vmem>>
        %dma_wait3A_666 = tpu.memref_squeeze %dma_wait3A_665 : memref<1x40x16xf32, #tpu.memory_space<vmem>> -> memref<40x16xf32, #tpu.memory_space<vmem>>
        tpu.wait_dma2 semaphore(%dma_wait3A_659 : memref<!tpu.dma_semaphore, #tpu.memory_space<semaphore_mem>>) src(%dma_wait3A_666 : memref<40x16xf32, #tpu.memory_space<vmem>>) dst(%dma_wait3A_662 : memref<40x16xf32, #tpu.memory_space<hbm>>)
      } else {
      }
      %dma_wait3A_253 = arith.constant 1 : i32
      %dma_wait3A_254 = arith.constant 1 : i32
      %dma_wait3A_255 = arith.constant 0 : i32
      %dma_wait3A_256 = tpu.memref_slice %arg10[%dma_wait3A_253, %dma_wait3A_255] : memref<2x40xi32, #tpu.memory_space<vmem>> -> memref<1x40xi32, #tpu.memory_space<vmem>>
      %dma_wait3A_257 = tpu.memref_squeeze %dma_wait3A_256 : memref<1x40xi32, #tpu.memory_space<vmem>> -> memref<40xi32, #tpu.memory_space<vmem>>
      %dma_wait3A_258 = arith.constant 0 : i32
      %dma_wait3A_259 = tpu.memref_slice %arg2[%dma_wait3A_258] : memref<320000xi32, #tpu.memory_space<hbm>> -> memref<40xi32, #tpu.memory_space<hbm>>
      %dma_wait3A_260 = tpu.memref_slice %arg19[%dma_wait3A_254] : memref<2x!tpu.dma_semaphore, #tpu.memory_space<semaphore_mem>> -> memref<1x!tpu.dma_semaphore, #tpu.memory_space<semaphore_mem>>
      %dma_wait3A_261 = tpu.memref_squeeze %dma_wait3A_260 : memref<1x!tpu.dma_semaphore, #tpu.memory_space<semaphore_mem>> -> memref<!tpu.dma_semaphore, #tpu.memory_space<semaphore_mem>>
      %dma_wait3A_262 = arith.constant 0 : i32
      %dma_wait3A_263 = tpu.memref_slice %arg10[%dma_wait3A_253, %dma_wait3A_262] : memref<2x40xi32, #tpu.memory_space<vmem>> -> memref<1x40xi32, #tpu.memory_space<vmem>>
      %dma_wait3A_264 = tpu.memref_squeeze %dma_wait3A_263 : memref<1x40xi32, #tpu.memory_space<vmem>> -> memref<40xi32, #tpu.memory_space<vmem>>
      %dma_wait3A_265 = arith.constant 0 : i32
      %dma_wait3A_266 = tpu.memref_slice %arg2[%dma_wait3A_265] : memref<320000xi32, #tpu.memory_space<hbm>> -> memref<40xi32, #tpu.memory_space<hbm>>
      tpu.wait_dma2 semaphore(%dma_wait3A_261 : memref<!tpu.dma_semaphore, #tpu.memory_space<semaphore_mem>>) src(%dma_wait3A_266 : memref<40xi32, #tpu.memory_space<hbm>>) dst(%dma_wait3A_264 : memref<40xi32, #tpu.memory_space<vmem>>)
      %dma_wait3A_267 = arith.constant 1 : i32
      %dma_wait3A_268 = arith.constant 1 : i32
      %dma_wait3A_269 = arith.constant 0 : i32
      %dma_wait3A_270 = tpu.memref_slice %arg10[%dma_wait3A_267, %dma_wait3A_269] : memref<2x40xi32, #tpu.memory_space<vmem>> -> memref<1x40xi32, #tpu.memory_space<vmem>>
      %dma_wait3A_271 = tpu.memref_squeeze %dma_wait3A_270 : memref<1x40xi32, #tpu.memory_space<vmem>> -> memref<40xi32, #tpu.memory_space<vmem>>
      %dma_wait3A_272 = arith.constant 0 : i32
      %dma_wait3A_273 = tpu.memref_slice %arg3[%dma_wait3A_272] : memref<320000xi32, #tpu.memory_space<hbm>> -> memref<40xi32, #tpu.memory_space<hbm>>
      %dma_wait3A_274 = tpu.memref_slice %arg19[%dma_wait3A_268] : memref<2x!tpu.dma_semaphore, #tpu.memory_space<semaphore_mem>> -> memref<1x!tpu.dma_semaphore, #tpu.memory_space<semaphore_mem>>
      %dma_wait3A_275 = tpu.memref_squeeze %dma_wait3A_274 : memref<1x!tpu.dma_semaphore, #tpu.memory_space<semaphore_mem>> -> memref<!tpu.dma_semaphore, #tpu.memory_space<semaphore_mem>>
      %dma_wait3A_276 = arith.constant 0 : i32
      %dma_wait3A_277 = tpu.memref_slice %arg10[%dma_wait3A_267, %dma_wait3A_276] : memref<2x40xi32, #tpu.memory_space<vmem>> -> memref<1x40xi32, #tpu.memory_space<vmem>>
      %dma_wait3A_278 = tpu.memref_squeeze %dma_wait3A_277 : memref<1x40xi32, #tpu.memory_space<vmem>> -> memref<40xi32, #tpu.memory_space<vmem>>
      %dma_wait3A_279 = arith.constant 0 : i32
      %dma_wait3A_280 = tpu.memref_slice %arg3[%dma_wait3A_279] : memref<320000xi32, #tpu.memory_space<hbm>> -> memref<40xi32, #tpu.memory_space<hbm>>
      tpu.wait_dma2 semaphore(%dma_wait3A_275 : memref<!tpu.dma_semaphore, #tpu.memory_space<semaphore_mem>>) src(%dma_wait3A_280 : memref<40xi32, #tpu.memory_space<hbm>>) dst(%dma_wait3A_278 : memref<40xi32, #tpu.memory_space<vmem>>)
      %dma_wait3A_281 = arith.constant 0 : i32
      %dma_wait3A_282 = arith.constant 0 : i32
      %dma_wait3A_283 = arith.constant 0 : i32
      %dma_wait3A_284 = arith.constant 0 : i32
      %dma_wait3A_285 = tpu.memref_slice %arg12[%dma_wait3A_281, %dma_wait3A_283, %dma_wait3A_284] : memref<2x40x64xf32, #tpu.memory_space<vmem>> -> memref<1x40x64xf32, #tpu.memory_space<vmem>>
      %dma_wait3A_286 = tpu.memref_squeeze %dma_wait3A_285 : memref<1x40x64xf32, #tpu.memory_space<vmem>> -> memref<40x64xf32, #tpu.memory_space<vmem>>
      %dma_wait3A_287 = arith.constant 0 : i32
      %dma_wait3A_288 = arith.constant 0 : i32
      %dma_wait3A_289 = tpu.memref_slice %arg4[%dma_wait3A_287, %dma_wait3A_288] : memref<10000x64xf32, #tpu.memory_space<hbm>> -> memref<40x64xf32, #tpu.memory_space<hbm>>
      %dma_wait3A_290 = tpu.memref_slice %arg20[%dma_wait3A_282] : memref<2x!tpu.dma_semaphore, #tpu.memory_space<semaphore_mem>> -> memref<1x!tpu.dma_semaphore, #tpu.memory_space<semaphore_mem>>
      %dma_wait3A_291 = tpu.memref_squeeze %dma_wait3A_290 : memref<1x!tpu.dma_semaphore, #tpu.memory_space<semaphore_mem>> -> memref<!tpu.dma_semaphore, #tpu.memory_space<semaphore_mem>>
      %dma_wait3A_292 = arith.constant 0 : i32
      %dma_wait3A_293 = arith.constant 0 : i32
      %dma_wait3A_294 = tpu.memref_slice %arg12[%dma_wait3A_281, %dma_wait3A_292, %dma_wait3A_293] : memref<2x40x64xf32, #tpu.memory_space<vmem>> -> memref<1x40x64xf32, #tpu.memory_space<vmem>>
      %dma_wait3A_295 = tpu.memref_squeeze %dma_wait3A_294 : memref<1x40x64xf32, #tpu.memory_space<vmem>> -> memref<40x64xf32, #tpu.memory_space<vmem>>
      %dma_wait3A_296 = arith.constant 0 : i32
      %dma_wait3A_297 = arith.constant 0 : i32
      %dma_wait3A_298 = tpu.memref_slice %arg4[%dma_wait3A_296, %dma_wait3A_297] : memref<10000x64xf32, #tpu.memory_space<hbm>> -> memref<40x64xf32, #tpu.memory_space<hbm>>
      tpu.wait_dma2 semaphore(%dma_wait3A_291 : memref<!tpu.dma_semaphore, #tpu.memory_space<semaphore_mem>>) src(%dma_wait3A_298 : memref<40x64xf32, #tpu.memory_space<hbm>>) dst(%dma_wait3A_295 : memref<40x64xf32, #tpu.memory_space<vmem>>)
      %dma_wait3A_299 = arith.constant 0 : i32
      %dma_wait3A_300 = arith.constant 0 : i32
      %dma_wait3A_301 = arith.constant 0 : i32
      %dma_wait3A_302 = arith.constant 0 : i32
      %dma_wait3A_303 = tpu.memref_slice %arg13[%dma_wait3A_299, %dma_wait3A_301, %dma_wait3A_302] : memref<2x40x80xf32, #tpu.memory_space<vmem>> -> memref<1x40x80xf32, #tpu.memory_space<vmem>>
      %dma_wait3A_304 = tpu.memref_squeeze %dma_wait3A_303 : memref<1x40x80xf32, #tpu.memory_space<vmem>> -> memref<40x80xf32, #tpu.memory_space<vmem>>
      %dma_wait3A_305 = arith.constant 0 : i32
      %dma_wait3A_306 = arith.constant 0 : i32
      %dma_wait3A_307 = tpu.memref_slice %arg5[%dma_wait3A_305, %dma_wait3A_306] : memref<320000x80xf32, #tpu.memory_space<hbm>> -> memref<40x80xf32, #tpu.memory_space<hbm>>
      %dma_wait3A_308 = tpu.memref_slice %arg20[%dma_wait3A_300] : memref<2x!tpu.dma_semaphore, #tpu.memory_space<semaphore_mem>> -> memref<1x!tpu.dma_semaphore, #tpu.memory_space<semaphore_mem>>
      %dma_wait3A_309 = tpu.memref_squeeze %dma_wait3A_308 : memref<1x!tpu.dma_semaphore, #tpu.memory_space<semaphore_mem>> -> memref<!tpu.dma_semaphore, #tpu.memory_space<semaphore_mem>>
      %dma_wait3A_310 = arith.constant 0 : i32
      %dma_wait3A_311 = arith.constant 0 : i32
      %dma_wait3A_312 = tpu.memref_slice %arg13[%dma_wait3A_299, %dma_wait3A_310, %dma_wait3A_311] : memref<2x40x80xf32, #tpu.memory_space<vmem>> -> memref<1x40x80xf32, #tpu.memory_space<vmem>>
      %dma_wait3A_313 = tpu.memref_squeeze %dma_wait3A_312 : memref<1x40x80xf32, #tpu.memory_space<vmem>> -> memref<40x80xf32, #tpu.memory_space<vmem>>
      %dma_wait3A_314 = arith.constant 0 : i32
      %dma_wait3A_315 = arith.constant 0 : i32
      %dma_wait3A_316 = tpu.memref_slice %arg5[%dma_wait3A_314, %dma_wait3A_315] : memref<320000x80xf32, #tpu.memory_space<hbm>> -> memref<40x80xf32, #tpu.memory_space<hbm>>
      tpu.wait_dma2 semaphore(%dma_wait3A_309 : memref<!tpu.dma_semaphore, #tpu.memory_space<semaphore_mem>>) src(%dma_wait3A_316 : memref<40x80xf32, #tpu.memory_space<hbm>>) dst(%dma_wait3A_313 : memref<40x80xf32, #tpu.memory_space<vmem>>)
      %dma_wait3A_317 = arith.constant 0 : i32
      %dma_wait3A_318 = arith.constant 0 : i32
      %dma_wait3A_319 = arith.constant 0 : i32
      %dma_wait3A_320 = arith.constant 0 : i32
      %dma_wait3A_321 = tpu.memref_slice %arg15[%dma_wait3A_317, %dma_wait3A_319, %dma_wait3A_320] : memref<2x40x16xf32, #tpu.memory_space<vmem>> -> memref<1x40x16xf32, #tpu.memory_space<vmem>>
      %dma_wait3A_322 = tpu.memref_squeeze %dma_wait3A_321 : memref<1x40x16xf32, #tpu.memory_space<vmem>> -> memref<40x16xf32, #tpu.memory_space<vmem>>
      %dma_wait3A_323 = arith.constant 0 : i32
      %dma_wait3A_324 = arith.constant 0 : i32
      %dma_wait3A_325 = tpu.memref_slice %arg6[%dma_wait3A_323, %dma_wait3A_324] : memref<10000x16xf32, #tpu.memory_space<hbm>> -> memref<40x16xf32, #tpu.memory_space<hbm>>
      %dma_wait3A_326 = tpu.memref_slice %arg20[%dma_wait3A_318] : memref<2x!tpu.dma_semaphore, #tpu.memory_space<semaphore_mem>> -> memref<1x!tpu.dma_semaphore, #tpu.memory_space<semaphore_mem>>
      %dma_wait3A_327 = tpu.memref_squeeze %dma_wait3A_326 : memref<1x!tpu.dma_semaphore, #tpu.memory_space<semaphore_mem>> -> memref<!tpu.dma_semaphore, #tpu.memory_space<semaphore_mem>>
      %dma_wait3A_328 = arith.constant 0 : i32
      %dma_wait3A_329 = arith.constant 0 : i32
      %dma_wait3A_330 = tpu.memref_slice %arg15[%dma_wait3A_317, %dma_wait3A_328, %dma_wait3A_329] : memref<2x40x16xf32, #tpu.memory_space<vmem>> -> memref<1x40x16xf32, #tpu.memory_space<vmem>>
      %dma_wait3A_331 = tpu.memref_squeeze %dma_wait3A_330 : memref<1x40x16xf32, #tpu.memory_space<vmem>> -> memref<40x16xf32, #tpu.memory_space<vmem>>
      %dma_wait3A_332 = arith.constant 0 : i32
      %dma_wait3A_333 = arith.constant 0 : i32
      %dma_wait3A_334 = tpu.memref_slice %arg6[%dma_wait3A_332, %dma_wait3A_333] : memref<10000x16xf32, #tpu.memory_space<hbm>> -> memref<40x16xf32, #tpu.memory_space<hbm>>
      tpu.wait_dma2 semaphore(%dma_wait3A_327 : memref<!tpu.dma_semaphore, #tpu.memory_space<semaphore_mem>>) src(%dma_wait3A_334 : memref<40x16xf32, #tpu.memory_space<hbm>>) dst(%dma_wait3A_331 : memref<40x16xf32, #tpu.memory_space<vmem>>)
      %dma_wait3A_335 = arith.constant 0 : i32
      %dma_wait3A_336 = arith.constant 0 : i32
      %dma_wait3A_337 = arith.constant 0 : i32
      %dma_wait3A_338 = arith.constant 0 : i32
      %dma_wait3A_339 = tpu.memref_slice %arg16[%dma_wait3A_335, %dma_wait3A_337, %dma_wait3A_338] : memref<2x40x16xf32, #tpu.memory_space<vmem>> -> memref<1x40x16xf32, #tpu.memory_space<vmem>>
      %dma_wait3A_340 = tpu.memref_squeeze %dma_wait3A_339 : memref<1x40x16xf32, #tpu.memory_space<vmem>> -> memref<40x16xf32, #tpu.memory_space<vmem>>
      %dma_wait3A_341 = arith.constant 0 : i32
      %dma_wait3A_342 = arith.constant 0 : i32
      %dma_wait3A_343 = tpu.memref_slice %arg7[%dma_wait3A_341, %dma_wait3A_342] : memref<10000x16xf32, #tpu.memory_space<hbm>> -> memref<40x16xf32, #tpu.memory_space<hbm>>
      %dma_wait3A_344 = tpu.memref_slice %arg20[%dma_wait3A_336] : memref<2x!tpu.dma_semaphore, #tpu.memory_space<semaphore_mem>> -> memref<1x!tpu.dma_semaphore, #tpu.memory_space<semaphore_mem>>
      %dma_wait3A_345 = tpu.memref_squeeze %dma_wait3A_344 : memref<1x!tpu.dma_semaphore, #tpu.memory_space<semaphore_mem>> -> memref<!tpu.dma_semaphore, #tpu.memory_space<semaphore_mem>>
      %dma_wait3A_346 = arith.constant 0 : i32
      %dma_wait3A_347 = arith.constant 0 : i32
      %dma_wait3A_348 = tpu.memref_slice %arg16[%dma_wait3A_335, %dma_wait3A_346, %dma_wait3A_347] : memref<2x40x16xf32, #tpu.memory_space<vmem>> -> memref<1x40x16xf32, #tpu.memory_space<vmem>>
      %dma_wait3A_349 = tpu.memref_squeeze %dma_wait3A_348 : memref<1x40x16xf32, #tpu.memory_space<vmem>> -> memref<40x16xf32, #tpu.memory_space<vmem>>
      %dma_wait3A_350 = arith.constant 0 : i32
      %dma_wait3A_351 = arith.constant 0 : i32
      %dma_wait3A_352 = tpu.memref_slice %arg7[%dma_wait3A_350, %dma_wait3A_351] : memref<10000x16xf32, #tpu.memory_space<hbm>> -> memref<40x16xf32, #tpu.memory_space<hbm>>
      tpu.wait_dma2 semaphore(%dma_wait3A_345 : memref<!tpu.dma_semaphore, #tpu.memory_space<semaphore_mem>>) src(%dma_wait3A_352 : memref<40x16xf32, #tpu.memory_space<hbm>>) dst(%dma_wait3A_349 : memref<40x16xf32, #tpu.memory_space<vmem>>)
      %lt3A = arith.constant 249 : i32
      %lt3A_353 = arith.cmpi slt, %add3A_236, %lt3A : i32
      %convert_element_type3A_354 = arith.extui %lt3A_353 : i1 to i32
      %cond3A_355 = arith.constant 0 : i32
      %cond3A_356 = arith.cmpi ne, %convert_element_type3A_354, %cond3A_355 : i32
      scf.if %cond3A_356 {
        %add3A_649 = arith.constant 1 : i32
        %add3A_650 = arith.addi %add3A_236, %add3A_649 : i32
        %mul3A_651 = arith.constant 40 : i32
        %mul3A_652 = arith.muli %add3A_650, %mul3A_651 : i32
        %add3A_653 = arith.addi %mul3A_2, %mul3A_652 : i32
        %multiple_of3A_654 = tpu.assume_multiple %add3A_653, 8 : i32
        %dma_start3A_655 = arith.constant 1 : i32
        %dma_start3A_656 = arith.constant 1 : i32
        %dma_start3A_657 = arith.constant 1 : i32
        %dma_start3A_658 = arith.constant 0 : i32
        %dma_start3A_659 = arith.constant 0 : i32
        %dma_start3A_660 = tpu.memref_slice %arg12[%dma_start3A_656, %dma_start3A_658, %dma_start3A_659] : memref<2x40x64xf32, #tpu.memory_space<vmem>> -> memref<1x40x64xf32, #tpu.memory_space<vmem>>
        %dma_start3A_661 = tpu.memref_squeeze %dma_start3A_660 : memref<1x40x64xf32, #tpu.memory_space<vmem>> -> memref<40x64xf32, #tpu.memory_space<vmem>>
        %dma_start3A_662 = arith.constant 0 : i32
        %dma_start3A_663 = tpu.memref_slice %arg10[%dma_start3A_655, %dma_start3A_662] : memref<2x40xi32, #tpu.memory_space<vmem>> -> memref<1x40xi32, #tpu.memory_space<vmem>>
        %dma_start3A_664 = tpu.memref_squeeze %dma_start3A_663 : memref<1x40xi32, #tpu.memory_space<vmem>> -> memref<40xi32, #tpu.memory_space<vmem>>
        %dma_start3A_665 = arith.constant 0 : i32
        %dma_start3A_666 = arith.constant 0 : i32
        %dma_start3A_667 = tpu.memref_slice %arg4[%dma_start3A_665, %dma_start3A_666] : memref<10000x64xf32, #tpu.memory_space<hbm>> -> memref<10000x64xf32, #tpu.memory_space<hbm>>
        %dma_start3A_668 = tpu.memref_slice %arg20[%dma_start3A_657] : memref<2x!tpu.dma_semaphore, #tpu.memory_space<semaphore_mem>> -> memref<1x!tpu.dma_semaphore, #tpu.memory_space<semaphore_mem>>
        %dma_start3A_669 = tpu.memref_squeeze %dma_start3A_668 : memref<1x!tpu.dma_semaphore, #tpu.memory_space<semaphore_mem>> -> memref<!tpu.dma_semaphore, #tpu.memory_space<semaphore_mem>>
        tpu.enqueue_indirect_dma source(%dma_start3A_667 : memref<10000x64xf32, #tpu.memory_space<hbm>>) target(%dma_start3A_661 : memref<40x64xf32, #tpu.memory_space<vmem>>) offsets(%dma_start3A_664 : memref<40xi32, #tpu.memory_space<vmem>>) semaphore(%dma_start3A_669 : memref<!tpu.dma_semaphore, #tpu.memory_space<semaphore_mem>>)
        %dma_start3A_670 = arith.constant 1 : i32
        %dma_start3A_671 = arith.constant 1 : i32
        %dma_start3A_672 = arith.constant 0 : i32
        %dma_start3A_673 = arith.constant 0 : i32
        %dma_start3A_674 = tpu.memref_slice %arg13[%dma_start3A_670, %dma_start3A_672, %dma_start3A_673] : memref<2x40x80xf32, #tpu.memory_space<vmem>> -> memref<1x40x80xf32, #tpu.memory_space<vmem>>
        %dma_start3A_675 = tpu.memref_squeeze %dma_start3A_674 : memref<1x40x80xf32, #tpu.memory_space<vmem>> -> memref<40x80xf32, #tpu.memory_space<vmem>>
        %dma_start3A_676 = arith.constant 0 : i32
        %dma_start3A_677 = tpu.memref_slice %arg5[%multiple_of3A_654, %dma_start3A_676] : memref<320000x80xf32, #tpu.memory_space<hbm>> -> memref<40x80xf32, #tpu.memory_space<hbm>>
        %dma_start3A_678 = tpu.memref_slice %arg20[%dma_start3A_671] : memref<2x!tpu.dma_semaphore, #tpu.memory_space<semaphore_mem>> -> memref<1x!tpu.dma_semaphore, #tpu.memory_space<semaphore_mem>>
        %dma_start3A_679 = tpu.memref_squeeze %dma_start3A_678 : memref<1x!tpu.dma_semaphore, #tpu.memory_space<semaphore_mem>> -> memref<!tpu.dma_semaphore, #tpu.memory_space<semaphore_mem>>
        %dma_start3A_680 = arith.constant 0 : i32
        %dma_start3A_681 = arith.constant 0 : i32
        %dma_start3A_682 = tpu.memref_slice %arg13[%dma_start3A_670, %dma_start3A_680, %dma_start3A_681] : memref<2x40x80xf32, #tpu.memory_space<vmem>> -> memref<1x40x80xf32, #tpu.memory_space<vmem>>
        %dma_start3A_683 = tpu.memref_squeeze %dma_start3A_682 : memref<1x40x80xf32, #tpu.memory_space<vmem>> -> memref<40x80xf32, #tpu.memory_space<vmem>>
        %dma_start3A_684 = arith.constant 0 : i32
        %dma_start3A_685 = tpu.memref_slice %arg5[%multiple_of3A_654, %dma_start3A_684] : memref<320000x80xf32, #tpu.memory_space<hbm>> -> memref<40x80xf32, #tpu.memory_space<hbm>>
        tpu.enqueue_dma source(%dma_start3A_685 : memref<40x80xf32, #tpu.memory_space<hbm>>) target(%dma_start3A_683 : memref<40x80xf32, #tpu.memory_space<vmem>>) target_semaphore(%dma_start3A_679 : memref<!tpu.dma_semaphore, #tpu.memory_space<semaphore_mem>>)
        %dma_start3A_686 = arith.constant 1 : i32
        %dma_start3A_687 = arith.constant 1 : i32
        %dma_start3A_688 = arith.constant 1 : i32
        %dma_start3A_689 = arith.constant 0 : i32
        %dma_start3A_690 = arith.constant 0 : i32
        %dma_start3A_691 = tpu.memref_slice %arg15[%dma_start3A_687, %dma_start3A_689, %dma_start3A_690] : memref<2x40x16xf32, #tpu.memory_space<vmem>> -> memref<1x40x16xf32, #tpu.memory_space<vmem>>
        %dma_start3A_692 = tpu.memref_squeeze %dma_start3A_691 : memref<1x40x16xf32, #tpu.memory_space<vmem>> -> memref<40x16xf32, #tpu.memory_space<vmem>>
        %dma_start3A_693 = arith.constant 0 : i32
        %dma_start3A_694 = tpu.memref_slice %arg10[%dma_start3A_686, %dma_start3A_693] : memref<2x40xi32, #tpu.memory_space<vmem>> -> memref<1x40xi32, #tpu.memory_space<vmem>>
        %dma_start3A_695 = tpu.memref_squeeze %dma_start3A_694 : memref<1x40xi32, #tpu.memory_space<vmem>> -> memref<40xi32, #tpu.memory_space<vmem>>
        %dma_start3A_696 = arith.constant 0 : i32
        %dma_start3A_697 = arith.constant 0 : i32
        %dma_start3A_698 = tpu.memref_slice %arg6[%dma_start3A_696, %dma_start3A_697] : memref<10000x16xf32, #tpu.memory_space<hbm>> -> memref<10000x16xf32, #tpu.memory_space<hbm>>
        %dma_start3A_699 = tpu.memref_slice %arg20[%dma_start3A_688] : memref<2x!tpu.dma_semaphore, #tpu.memory_space<semaphore_mem>> -> memref<1x!tpu.dma_semaphore, #tpu.memory_space<semaphore_mem>>
        %dma_start3A_700 = tpu.memref_squeeze %dma_start3A_699 : memref<1x!tpu.dma_semaphore, #tpu.memory_space<semaphore_mem>> -> memref<!tpu.dma_semaphore, #tpu.memory_space<semaphore_mem>>
        tpu.enqueue_indirect_dma source(%dma_start3A_698 : memref<10000x16xf32, #tpu.memory_space<hbm>>) target(%dma_start3A_692 : memref<40x16xf32, #tpu.memory_space<vmem>>) offsets(%dma_start3A_695 : memref<40xi32, #tpu.memory_space<vmem>>) semaphore(%dma_start3A_700 : memref<!tpu.dma_semaphore, #tpu.memory_space<semaphore_mem>>)
        %dma_start3A_701 = arith.constant 1 : i32
        %dma_start3A_702 = arith.constant 1 : i32
        %dma_start3A_703 = arith.constant 0 : i32
        %dma_start3A_704 = arith.constant 0 : i32
        %dma_start3A_705 = tpu.memref_slice %arg16[%dma_start3A_701, %dma_start3A_703, %dma_start3A_704] : memref<2x40x16xf32, #tpu.memory_space<vmem>> -> memref<1x40x16xf32, #tpu.memory_space<vmem>>
        %dma_start3A_706 = tpu.memref_squeeze %dma_start3A_705 : memref<1x40x16xf32, #tpu.memory_space<vmem>> -> memref<40x16xf32, #tpu.memory_space<vmem>>
        %dma_start3A_707 = arith.constant 0 : i32
        %dma_start3A_708 = tpu.memref_slice %arg11[%rem3A_244, %dma_start3A_707] : memref<4x40xi32, #tpu.memory_space<vmem>> -> memref<1x40xi32, #tpu.memory_space<vmem>>
        %dma_start3A_709 = tpu.memref_squeeze %dma_start3A_708 : memref<1x40xi32, #tpu.memory_space<vmem>> -> memref<40xi32, #tpu.memory_space<vmem>>
        %dma_start3A_710 = arith.constant 0 : i32
        %dma_start3A_711 = arith.constant 0 : i32
        %dma_start3A_712 = tpu.memref_slice %arg7[%dma_start3A_710, %dma_start3A_711] : memref<10000x16xf32, #tpu.memory_space<hbm>> -> memref<10000x16xf32, #tpu.memory_space<hbm>>
        %dma_start3A_713 = tpu.memref_slice %arg20[%dma_start3A_702] : memref<2x!tpu.dma_semaphore, #tpu.memory_space<semaphore_mem>> -> memref<1x!tpu.dma_semaphore, #tpu.memory_space<semaphore_mem>>
        %dma_start3A_714 = tpu.memref_squeeze %dma_start3A_713 : memref<1x!tpu.dma_semaphore, #tpu.memory_space<semaphore_mem>> -> memref<!tpu.dma_semaphore, #tpu.memory_space<semaphore_mem>>
        tpu.enqueue_indirect_dma source(%dma_start3A_712 : memref<10000x16xf32, #tpu.memory_space<hbm>>) target(%dma_start3A_706 : memref<40x16xf32, #tpu.memory_space<vmem>>) offsets(%dma_start3A_709 : memref<40xi32, #tpu.memory_space<vmem>>) semaphore(%dma_start3A_714 : memref<!tpu.dma_semaphore, #tpu.memory_space<semaphore_mem>>)
      } else {
      }
      %gt3A_357 = arith.constant 0 : i32
      %gt3A_358 = arith.cmpi sgt, %scan3A_229, %gt3A_357 : i32
      %convert_element_type3A_359 = arith.extui %gt3A_358 : i1 to i32
      %cond3A_360 = arith.constant 0 : i32
      %cond3A_361 = arith.cmpi ne, %convert_element_type3A_359, %cond3A_360 : i32
      scf.if %cond3A_361 {
        %dma_wait3A_649 = arith.constant 0 : i32
        %dma_wait3A_650 = arith.constant 0 : i32
        %dma_wait3A_651 = arith.constant 0 : i32
        %dma_wait3A_652 = arith.constant 0 : i32
        %dma_wait3A_653 = arith.constant 0 : i32
        %dma_wait3A_654 = tpu.memref_slice %arg14[%dma_wait3A_649, %dma_wait3A_652, %dma_wait3A_653] : memref<2x40x144xf32, #tpu.memory_space<vmem>> -> memref<1x40x144xf32, #tpu.memory_space<vmem>>
        %dma_wait3A_655 = tpu.memref_squeeze %dma_wait3A_654 : memref<1x40x144xf32, #tpu.memory_space<vmem>> -> memref<40x144xf32, #tpu.memory_space<vmem>>
        %dma_wait3A_656 = arith.constant 0 : i32
        %dma_wait3A_657 = tpu.memref_slice %arg11[%dma_wait3A_650, %dma_wait3A_656] : memref<4x40xi32, #tpu.memory_space<vmem>> -> memref<1x40xi32, #tpu.memory_space<vmem>>
        %dma_wait3A_658 = tpu.memref_squeeze %dma_wait3A_657 : memref<1x40xi32, #tpu.memory_space<vmem>> -> memref<40xi32, #tpu.memory_space<vmem>>
        %dma_wait3A_659 = arith.constant 0 : i32
        %dma_wait3A_660 = arith.constant 0 : i32
        %dma_wait3A_661 = tpu.memref_slice %arg18[%dma_wait3A_659, %dma_wait3A_660] : memref<10240x144xf32, #tpu.memory_space<vmem_shared>> -> memref<10240x144xf32, #tpu.memory_space<vmem_shared>>
        %dma_wait3A_662 = tpu.memref_slice %arg22[%dma_wait3A_651] : memref<2x!tpu.dma_semaphore, #tpu.memory_space<semaphore_mem>> -> memref<1x!tpu.dma_semaphore, #tpu.memory_space<semaphore_mem>>
        %dma_wait3A_663 = tpu.memref_squeeze %dma_wait3A_662 : memref<1x!tpu.dma_semaphore, #tpu.memory_space<semaphore_mem>> -> memref<!tpu.dma_semaphore, #tpu.memory_space<semaphore_mem>>
        tpu.wait_indirect_dma semaphore(%dma_wait3A_663 : memref<!tpu.dma_semaphore, #tpu.memory_space<semaphore_mem>>) src(%dma_wait3A_655 : memref<40x144xf32, #tpu.memory_space<vmem>>) dst(%dma_wait3A_661 : memref<10240x144xf32, #tpu.memory_space<vmem_shared>>)
      } else {
      }
      %add3A_362 = arith.constant 2 : i32
      %add3A_363 = arith.addi %add3A_236, %add3A_362 : i32
      %min3A = arith.constant 249 : i32
      %min3A_364 = arith.minsi %add3A_363, %min3A : i32
      %mul3A_365 = arith.constant 40 : i32
      %mul3A_366 = arith.muli %min3A_364, %mul3A_365 : i32
      %add3A_367 = arith.addi %mul3A_2, %mul3A_366 : i32
      %multiple_of3A_368 = tpu.assume_multiple %add3A_367, 8 : i32
      %dma_start3A_369 = arith.constant 0 : i32
      %dma_start3A_370 = arith.constant 0 : i32
      %dma_start3A_371 = arith.constant 0 : i32
      %dma_start3A_372 = tpu.memref_slice %arg10[%dma_start3A_369, %dma_start3A_371] : memref<2x40xi32, #tpu.memory_space<vmem>> -> memref<1x40xi32, #tpu.memory_space<vmem>>
      %dma_start3A_373 = tpu.memref_squeeze %dma_start3A_372 : memref<1x40xi32, #tpu.memory_space<vmem>> -> memref<40xi32, #tpu.memory_space<vmem>>
      %dma_start3A_374 = tpu.memref_slice %arg2[%multiple_of3A_368] : memref<320000xi32, #tpu.memory_space<hbm>> -> memref<40xi32, #tpu.memory_space<hbm>>
      %dma_start3A_375 = tpu.memref_slice %arg19[%dma_start3A_370] : memref<2x!tpu.dma_semaphore, #tpu.memory_space<semaphore_mem>> -> memref<1x!tpu.dma_semaphore, #tpu.memory_space<semaphore_mem>>
      %dma_start3A_376 = tpu.memref_squeeze %dma_start3A_375 : memref<1x!tpu.dma_semaphore, #tpu.memory_space<semaphore_mem>> -> memref<!tpu.dma_semaphore, #tpu.memory_space<semaphore_mem>>
      %dma_start3A_377 = arith.constant 0 : i32
      %dma_start3A_378 = tpu.memref_slice %arg10[%dma_start3A_369, %dma_start3A_377] : memref<2x40xi32, #tpu.memory_space<vmem>> -> memref<1x40xi32, #tpu.memory_space<vmem>>
      %dma_start3A_379 = tpu.memref_squeeze %dma_start3A_378 : memref<1x40xi32, #tpu.memory_space<vmem>> -> memref<40xi32, #tpu.memory_space<vmem>>
      %dma_start3A_380 = tpu.memref_slice %arg2[%multiple_of3A_368] : memref<320000xi32, #tpu.memory_space<hbm>> -> memref<40xi32, #tpu.memory_space<hbm>>
      tpu.enqueue_dma source(%dma_start3A_380 : memref<40xi32, #tpu.memory_space<hbm>>) target(%dma_start3A_379 : memref<40xi32, #tpu.memory_space<vmem>>) target_semaphore(%dma_start3A_376 : memref<!tpu.dma_semaphore, #tpu.memory_space<semaphore_mem>>)
      %dma_start3A_381 = arith.constant 0 : i32
      %dma_start3A_382 = arith.constant 0 : i32
      %dma_start3A_383 = tpu.memref_slice %arg11[%rem3A_250, %dma_start3A_382] : memref<4x40xi32, #tpu.memory_space<vmem>> -> memref<1x40xi32, #tpu.memory_space<vmem>>
      %dma_start3A_384 = tpu.memref_squeeze %dma_start3A_383 : memref<1x40xi32, #tpu.memory_space<vmem>> -> memref<40xi32, #tpu.memory_space<vmem>>
      %dma_start3A_385 = tpu.memref_slice %arg3[%multiple_of3A_368] : memref<320000xi32, #tpu.memory_space<hbm>> -> memref<40xi32, #tpu.memory_space<hbm>>
      %dma_start3A_386 = tpu.memref_slice %arg19[%dma_start3A_381] : memref<2x!tpu.dma_semaphore, #tpu.memory_space<semaphore_mem>> -> memref<1x!tpu.dma_semaphore, #tpu.memory_space<semaphore_mem>>
      %dma_start3A_387 = tpu.memref_squeeze %dma_start3A_386 : memref<1x!tpu.dma_semaphore, #tpu.memory_space<semaphore_mem>> -> memref<!tpu.dma_semaphore, #tpu.memory_space<semaphore_mem>>
      %dma_start3A_388 = arith.constant 0 : i32
      %dma_start3A_389 = tpu.memref_slice %arg11[%rem3A_250, %dma_start3A_388] : memref<4x40xi32, #tpu.memory_space<vmem>> -> memref<1x40xi32, #tpu.memory_space<vmem>>
      %dma_start3A_390 = tpu.memref_squeeze %dma_start3A_389 : memref<1x40xi32, #tpu.memory_space<vmem>> -> memref<40xi32, #tpu.memory_space<vmem>>
      %dma_start3A_391 = tpu.memref_slice %arg3[%multiple_of3A_368] : memref<320000xi32, #tpu.memory_space<hbm>> -> memref<40xi32, #tpu.memory_space<hbm>>
      tpu.enqueue_dma source(%dma_start3A_391 : memref<40xi32, #tpu.memory_space<hbm>>) target(%dma_start3A_390 : memref<40xi32, #tpu.memory_space<vmem>>) target_semaphore(%dma_start3A_387 : memref<!tpu.dma_semaphore, #tpu.memory_space<semaphore_mem>>)
      %scan3A_392 = arith.constant 0 : i32
      %scan3A_393 = arith.constant 0 : i32
      %scan3A_394 = arith.constant 40 : i32
      %scan3A_395 = arith.addi %scan3A_393, %scan3A_394 : i32
      %scan3A_396 = arith.constant 1 : i32
      scf.for %scan3A_649 = %scan3A_393 to %scan3A_395 step %scan3A_396  : i32 {
        %get3A = arith.constant 0 : i32
        %get3A_650 = arith.index_cast %get3A : i32 to index
        %get3A_651 = arith.index_cast %scan3A_649 : i32 to index
        %get3A_652 = arith.constant 0 : index
        %get3A_653 = tpu.vector_load %arg12[%get3A_650, %get3A_651, %get3A_652] {strides = array<i32>} : memref<2x40x64xf32, #tpu.memory_space<vmem>>, vector<16xf32>,
        %bitcast3A = vector.bitcast %get3A_653 : vector<16xf32> to vector<32xbf16>
        %get3A_654 = arith.constant 0 : i32
        %get3A_655 = arith.index_cast %get3A_654 : i32 to index
        %get3A_656 = arith.index_cast %scan3A_649 : i32 to index
        %get3A_657 = arith.constant 0 : index
        %get3A_658 = tpu.vector_load %arg13[%get3A_655, %get3A_656, %get3A_657] {strides = array<i32>} : memref<2x40x80xf32, #tpu.memory_space<vmem>>, vector<16xf32>,
        %bitcast3A_659 = vector.bitcast %get3A_658 : vector<16xf32> to vector<32xbf16>
        %add3A_660 = arith.addf %bitcast3A, %bitcast3A_659 : vector<32xbf16>
        %max3A = arith.maximumf %add3A_660, %broadcast_in_dim3A_27 : vector<32xbf16>
        %unpack3A = tpu.unpack_subelements %max3A, 0 {pack_format = #tpu.pack_format<interleaved>} : vector<32xbf16> -> vector<16xf32>
        %unpack3A_661 = tpu.unpack_subelements %max3A, 1 {pack_format = #tpu.pack_format<interleaved>} : vector<32xbf16> -> vector<16xf32>
        %swap3A = arith.constant 0 : i32
        %swap3A_662 = arith.index_cast %swap3A : i32 to index
        %swap3A_663 = arith.index_cast %scan3A_649 : i32 to index
        %swap3A_664 = arith.constant 0 : index
        %swap3A_665 = tpu.vector_load %arg14[%swap3A_662, %swap3A_663, %swap3A_664] {strides = array<i32>} : memref<2x40x144xf32, #tpu.memory_space<vmem>>, vector<16xf32>,
        tpu.vector_store %arg14[%swap3A_662, %swap3A_663, %swap3A_664], %unpack3A {strides = array<i32>} : memref<2x40x144xf32, #tpu.memory_space<vmem>>, vector<16xf32>,
        %swap3A_666 = arith.constant 0 : i32
        %swap3A_667 = arith.index_cast %swap3A_666 : i32 to index
        %swap3A_668 = arith.index_cast %scan3A_649 : i32 to index
        %swap3A_669 = arith.constant 64 : index
        %swap3A_670 = tpu.vector_load %arg14[%swap3A_667, %swap3A_668, %swap3A_669] {strides = array<i32>} : memref<2x40x144xf32, #tpu.memory_space<vmem>>, vector<16xf32>,
        tpu.vector_store %arg14[%swap3A_667, %swap3A_668, %swap3A_669], %unpack3A_661 {strides = array<i32>} : memref<2x40x144xf32, #tpu.memory_space<vmem>>, vector<16xf32>,
        %get3A_671 = arith.constant 0 : i32
        %get3A_672 = arith.index_cast %get3A_671 : i32 to index
        %get3A_673 = arith.index_cast %scan3A_649 : i32 to index
        %get3A_674 = arith.constant 16 : index
        %get3A_675 = tpu.vector_load %arg12[%get3A_672, %get3A_673, %get3A_674] {strides = array<i32>} : memref<2x40x64xf32, #tpu.memory_space<vmem>>, vector<16xf32>,
        %bitcast3A_676 = vector.bitcast %get3A_675 : vector<16xf32> to vector<32xbf16>
        %get3A_677 = arith.constant 0 : i32
        %get3A_678 = arith.index_cast %get3A_677 : i32 to index
        %get3A_679 = arith.index_cast %scan3A_649 : i32 to index
        %get3A_680 = arith.constant 16 : index
        %get3A_681 = tpu.vector_load %arg13[%get3A_678, %get3A_679, %get3A_680] {strides = array<i32>} : memref<2x40x80xf32, #tpu.memory_space<vmem>>, vector<16xf32>,
        %bitcast3A_682 = vector.bitcast %get3A_681 : vector<16xf32> to vector<32xbf16>
        %add3A_683 = arith.addf %bitcast3A_676, %bitcast3A_682 : vector<32xbf16>
        %max3A_684 = arith.maximumf %add3A_683, %broadcast_in_dim3A_27 : vector<32xbf16>
        %unpack3A_685 = tpu.unpack_subelements %max3A_684, 0 {pack_format = #tpu.pack_format<interleaved>} : vector<32xbf16> -> vector<16xf32>
        %unpack3A_686 = tpu.unpack_subelements %max3A_684, 1 {pack_format = #tpu.pack_format<interleaved>} : vector<32xbf16> -> vector<16xf32>
        %swap3A_687 = arith.constant 0 : i32
        %swap3A_688 = arith.index_cast %swap3A_687 : i32 to index
        %swap3A_689 = arith.index_cast %scan3A_649 : i32 to index
        %swap3A_690 = arith.constant 16 : index
        %swap3A_691 = tpu.vector_load %arg14[%swap3A_688, %swap3A_689, %swap3A_690] {strides = array<i32>} : memref<2x40x144xf32, #tpu.memory_space<vmem>>, vector<16xf32>,
        tpu.vector_store %arg14[%swap3A_688, %swap3A_689, %swap3A_690], %unpack3A_685 {strides = array<i32>} : memref<2x40x144xf32, #tpu.memory_space<vmem>>, vector<16xf32>,
        %swap3A_692 = arith.constant 0 : i32
        %swap3A_693 = arith.index_cast %swap3A_692 : i32 to index
        %swap3A_694 = arith.index_cast %scan3A_649 : i32 to index
        %swap3A_695 = arith.constant 80 : index
        %swap3A_696 = tpu.vector_load %arg14[%swap3A_693, %swap3A_694, %swap3A_695] {strides = array<i32>} : memref<2x40x144xf32, #tpu.memory_space<vmem>>, vector<16xf32>,
        tpu.vector_store %arg14[%swap3A_693, %swap3A_694, %swap3A_695], %unpack3A_686 {strides = array<i32>} : memref<2x40x144xf32, #tpu.memory_space<vmem>>, vector<16xf32>,
        %get3A_697 = arith.constant 0 : i32
        %get3A_698 = arith.index_cast %get3A_697 : i32 to index
        %get3A_699 = arith.index_cast %scan3A_649 : i32 to index
        %get3A_700 = arith.constant 32 : index
        %get3A_701 = tpu.vector_load %arg12[%get3A_698, %get3A_699, %get3A_700] {strides = array<i32>} : memref<2x40x64xf32, #tpu.memory_space<vmem>>, vector<16xf32>,
        %bitcast3A_702 = vector.bitcast %get3A_701 : vector<16xf32> to vector<32xbf16>
        %get3A_703 = arith.constant 0 : i32
        %get3A_704 = arith.index_cast %get3A_703 : i32 to index
        %get3A_705 = arith.index_cast %scan3A_649 : i32 to index
        %get3A_706 = arith.constant 32 : index
        %get3A_707 = tpu.vector_load %arg13[%get3A_704, %get3A_705, %get3A_706] {strides = array<i32>} : memref<2x40x80xf32, #tpu.memory_space<vmem>>, vector<16xf32>,
        %bitcast3A_708 = vector.bitcast %get3A_707 : vector<16xf32> to vector<32xbf16>
        %add3A_709 = arith.addf %bitcast3A_702, %bitcast3A_708 : vector<32xbf16>
        %max3A_710 = arith.maximumf %add3A_709, %broadcast_in_dim3A_27 : vector<32xbf16>
        %unpack3A_711 = tpu.unpack_subelements %max3A_710, 0 {pack_format = #tpu.pack_format<interleaved>} : vector<32xbf16> -> vector<16xf32>
        %unpack3A_712 = tpu.unpack_subelements %max3A_710, 1 {pack_format = #tpu.pack_format<interleaved>} : vector<32xbf16> -> vector<16xf32>
        %swap3A_713 = arith.constant 0 : i32
        %swap3A_714 = arith.index_cast %swap3A_713 : i32 to index
        %swap3A_715 = arith.index_cast %scan3A_649 : i32 to index
        %swap3A_716 = arith.constant 32 : index
        %swap3A_717 = tpu.vector_load %arg14[%swap3A_714, %swap3A_715, %swap3A_716] {strides = array<i32>} : memref<2x40x144xf32, #tpu.memory_space<vmem>>, vector<16xf32>,
        tpu.vector_store %arg14[%swap3A_714, %swap3A_715, %swap3A_716], %unpack3A_711 {strides = array<i32>} : memref<2x40x144xf32, #tpu.memory_space<vmem>>, vector<16xf32>,
        %swap3A_718 = arith.constant 0 : i32
        %swap3A_719 = arith.index_cast %swap3A_718 : i32 to index
        %swap3A_720 = arith.index_cast %scan3A_649 : i32 to index
        %swap3A_721 = arith.constant 96 : index
        %swap3A_722 = tpu.vector_load %arg14[%swap3A_719, %swap3A_720, %swap3A_721] {strides = array<i32>} : memref<2x40x144xf32, #tpu.memory_space<vmem>>, vector<16xf32>,
        tpu.vector_store %arg14[%swap3A_719, %swap3A_720, %swap3A_721], %unpack3A_712 {strides = array<i32>} : memref<2x40x144xf32, #tpu.memory_space<vmem>>, vector<16xf32>,
        %get3A_723 = arith.constant 0 : i32
        %get3A_724 = arith.index_cast %get3A_723 : i32 to index
        %get3A_725 = arith.index_cast %scan3A_649 : i32 to index
        %get3A_726 = arith.constant 48 : index
        %get3A_727 = tpu.vector_load %arg12[%get3A_724, %get3A_725, %get3A_726] {strides = array<i32>} : memref<2x40x64xf32, #tpu.memory_space<vmem>>, vector<16xf32>,
        %bitcast3A_728 = vector.bitcast %get3A_727 : vector<16xf32> to vector<32xbf16>
        %get3A_729 = arith.constant 0 : i32
        %get3A_730 = arith.index_cast %get3A_729 : i32 to index
        %get3A_731 = arith.index_cast %scan3A_649 : i32 to index
        %get3A_732 = arith.constant 48 : index
        %get3A_733 = tpu.vector_load %arg13[%get3A_730, %get3A_731, %get3A_732] {strides = array<i32>} : memref<2x40x80xf32, #tpu.memory_space<vmem>>, vector<16xf32>,
        %bitcast3A_734 = vector.bitcast %get3A_733 : vector<16xf32> to vector<32xbf16>
        %add3A_735 = arith.addf %bitcast3A_728, %bitcast3A_734 : vector<32xbf16>
        %max3A_736 = arith.maximumf %add3A_735, %broadcast_in_dim3A_27 : vector<32xbf16>
        %unpack3A_737 = tpu.unpack_subelements %max3A_736, 0 {pack_format = #tpu.pack_format<interleaved>} : vector<32xbf16> -> vector<16xf32>
        %unpack3A_738 = tpu.unpack_subelements %max3A_736, 1 {pack_format = #tpu.pack_format<interleaved>} : vector<32xbf16> -> vector<16xf32>
        %swap3A_739 = arith.constant 0 : i32
        %swap3A_740 = arith.index_cast %swap3A_739 : i32 to index
        %swap3A_741 = arith.index_cast %scan3A_649 : i32 to index
        %swap3A_742 = arith.constant 48 : index
        %swap3A_743 = tpu.vector_load %arg14[%swap3A_740, %swap3A_741, %swap3A_742] {strides = array<i32>} : memref<2x40x144xf32, #tpu.memory_space<vmem>>, vector<16xf32>,
        tpu.vector_store %arg14[%swap3A_740, %swap3A_741, %swap3A_742], %unpack3A_737 {strides = array<i32>} : memref<2x40x144xf32, #tpu.memory_space<vmem>>, vector<16xf32>,
        %swap3A_744 = arith.constant 0 : i32
        %swap3A_745 = arith.index_cast %swap3A_744 : i32 to index
        %swap3A_746 = arith.index_cast %scan3A_649 : i32 to index
        %swap3A_747 = arith.constant 112 : index
        %swap3A_748 = tpu.vector_load %arg14[%swap3A_745, %swap3A_746, %swap3A_747] {strides = array<i32>} : memref<2x40x144xf32, #tpu.memory_space<vmem>>, vector<16xf32>,
        tpu.vector_store %arg14[%swap3A_745, %swap3A_746, %swap3A_747], %unpack3A_738 {strides = array<i32>} : memref<2x40x144xf32, #tpu.memory_space<vmem>>, vector<16xf32>,
        %get3A_749 = arith.constant 0 : i32
        %get3A_750 = arith.index_cast %get3A_749 : i32 to index
        %get3A_751 = arith.index_cast %scan3A_649 : i32 to index
        %get3A_752 = arith.constant 64 : index
        %get3A_753 = tpu.vector_load %arg13[%get3A_750, %get3A_751, %get3A_752] {strides = array<i32>} : memref<2x40x80xf32, #tpu.memory_space<vmem>>, vector<16xf32>,
        %bitcast3A_754 = vector.bitcast %get3A_753 : vector<16xf32> to vector<32xbf16>
        %unpack3A_755 = tpu.unpack_subelements %bitcast3A_754, 0 {pack_format = #tpu.pack_format<interleaved>} : vector<32xbf16> -> vector<16xf32>
        %unpack3A_756 = tpu.unpack_subelements %bitcast3A_754, 1 {pack_format = #tpu.pack_format<interleaved>} : vector<32xbf16> -> vector<16xf32>
        %get3A_757 = arith.constant 0 : i32
        %get3A_758 = arith.index_cast %get3A_757 : i32 to index
        %get3A_759 = arith.index_cast %scan3A_649 : i32 to index
        %get3A_760 = arith.constant 0 : index
        %get3A_761 = tpu.vector_load %arg15[%get3A_758, %get3A_759, %get3A_760] {strides = array<i32>} : memref<2x40x16xf32, #tpu.memory_space<vmem>>, vector<16xf32>,
        %add3A_762 = arith.addf %unpack3A_755, %get3A_761 : vector<16xf32>
        %get3A_763 = arith.constant 0 : i32
        %get3A_764 = arith.index_cast %get3A_763 : i32 to index
        %get3A_765 = arith.index_cast %scan3A_649 : i32 to index
        %get3A_766 = arith.constant 0 : index
        %get3A_767 = tpu.vector_load %arg16[%get3A_764, %get3A_765, %get3A_766] {strides = array<i32>} : memref<2x40x16xf32, #tpu.memory_space<vmem>>, vector<16xf32>,
        %add3A_768 = arith.addf %add3A_762, %get3A_767 : vector<16xf32>
        %max3A_769 = arith.constant 0.000000e+00 : f32
        %max3A_770 = vector.broadcast %max3A_769 : f32 to vector<16xf32>
        %max3A_771 = arith.maximumf %add3A_768, %max3A_770 : vector<16xf32>
        %swap3A_772 = arith.constant 0 : i32
        %swap3A_773 = arith.index_cast %swap3A_772 : i32 to index
        %swap3A_774 = arith.index_cast %scan3A_649 : i32 to index
        %swap3A_775 = arith.constant 0 : index
        %swap3A_776 = tpu.vector_load %arg17[%swap3A_773, %swap3A_774, %swap3A_775] {strides = array<i32>} : memref<2x40x16xf32, #tpu.memory_space<vmem>>, vector<16xf32>,
        tpu.vector_store %arg17[%swap3A_773, %swap3A_774, %swap3A_775], %max3A_771 {strides = array<i32>} : memref<2x40x16xf32, #tpu.memory_space<vmem>>, vector<16xf32>,
      }
      %scan3A_397 = arith.constant 40 : i32
      %dma_start3A_398 = arith.constant 0 : i32
      %dma_start3A_399 = arith.constant 0 : i32
      %dma_start3A_400 = arith.constant 0 : i32
      %dma_start3A_401 = arith.constant 0 : i32
      %dma_start3A_402 = tpu.memref_slice %arg14[%dma_start3A_398, %dma_start3A_400, %dma_start3A_401] : memref<2x40x144xf32, #tpu.memory_space<vmem>> -> memref<1x40x144xf32, #tpu.memory_space<vmem>>
      %dma_start3A_403 = tpu.memref_squeeze %dma_start3A_402 : memref<1x40x144xf32, #tpu.memory_space<vmem>> -> memref<40x144xf32, #tpu.memory_space<vmem>>
      %dma_start3A_404 = arith.constant 0 : i32
      %dma_start3A_405 = tpu.memref_slice %arg11[%add3A_238, %dma_start3A_404] : memref<4x40xi32, #tpu.memory_space<vmem>> -> memref<1x40xi32, #tpu.memory_space<vmem>>
      %dma_start3A_406 = tpu.memref_squeeze %dma_start3A_405 : memref<1x40xi32, #tpu.memory_space<vmem>> -> memref<40xi32, #tpu.memory_space<vmem>>
      %dma_start3A_407 = arith.constant 0 : i32
      %dma_start3A_408 = arith.constant 0 : i32
      %dma_start3A_409 = tpu.memref_slice %arg18[%dma_start3A_407, %dma_start3A_408] : memref<10240x144xf32, #tpu.memory_space<vmem_shared>> -> memref<10240x144xf32, #tpu.memory_space<vmem_shared>>
      %dma_start3A_410 = tpu.memref_slice %arg22[%dma_start3A_399] : memref<2x!tpu.dma_semaphore, #tpu.memory_space<semaphore_mem>> -> memref<1x!tpu.dma_semaphore, #tpu.memory_space<semaphore_mem>>
      %dma_start3A_411 = tpu.memref_squeeze %dma_start3A_410 : memref<1x!tpu.dma_semaphore, #tpu.memory_space<semaphore_mem>> -> memref<!tpu.dma_semaphore, #tpu.memory_space<semaphore_mem>>
      tpu.enqueue_indirect_dma source(%dma_start3A_403 : memref<40x144xf32, #tpu.memory_space<vmem>>) target(%dma_start3A_409 : memref<10240x144xf32, #tpu.memory_space<vmem_shared>>) offsets(%dma_start3A_406 : memref<40xi32, #tpu.memory_space<vmem>>) semaphore(%dma_start3A_411 : memref<!tpu.dma_semaphore, #tpu.memory_space<semaphore_mem>>) {add = true}
      %mul3A_412 = arith.constant 40 : i32
      %mul3A_413 = arith.muli %add3A_236, %mul3A_412 : i32
      %add3A_414 = arith.addi %mul3A_2, %mul3A_413 : i32
      %multiple_of3A_415 = tpu.assume_multiple %add3A_414, 8 : i32
      %dma_start3A_416 = arith.constant 0 : i32
      %dma_start3A_417 = arith.constant 0 : i32
      %dma_start3A_418 = arith.constant 0 : i32
      %dma_start3A_419 = arith.constant 0 : i32
      %dma_start3A_420 = tpu.memref_slice %arg17[%dma_start3A_416, %dma_start3A_418, %dma_start3A_419] : memref<2x40x16xf32, #tpu.memory_space<vmem>> -> memref<1x40x16xf32, #tpu.memory_space<vmem>>
      %dma_start3A_421 = tpu.memref_squeeze %dma_start3A_420 : memref<1x40x16xf32, #tpu.memory_space<vmem>> -> memref<40x16xf32, #tpu.memory_space<vmem>>
      %dma_start3A_422 = arith.constant 0 : i32
      %dma_start3A_423 = tpu.memref_slice %arg8[%multiple_of3A_415, %dma_start3A_422] : memref<320000x16xf32, #tpu.memory_space<hbm>> -> memref<40x16xf32, #tpu.memory_space<hbm>>
      %dma_start3A_424 = tpu.memref_slice %arg21[%dma_start3A_417] : memref<2x!tpu.dma_semaphore, #tpu.memory_space<semaphore_mem>> -> memref<1x!tpu.dma_semaphore, #tpu.memory_space<semaphore_mem>>
      %dma_start3A_425 = tpu.memref_squeeze %dma_start3A_424 : memref<1x!tpu.dma_semaphore, #tpu.memory_space<semaphore_mem>> -> memref<!tpu.dma_semaphore, #tpu.memory_space<semaphore_mem>>
      %dma_start3A_426 = arith.constant 0 : i32
      %dma_start3A_427 = tpu.memref_slice %arg8[%multiple_of3A_415, %dma_start3A_426] : memref<320000x16xf32, #tpu.memory_space<hbm>> -> memref<40x16xf32, #tpu.memory_space<hbm>>
      %dma_start3A_428 = arith.constant 0 : i32
      %dma_start3A_429 = arith.constant 0 : i32
      %dma_start3A_430 = tpu.memref_slice %arg17[%dma_start3A_416, %dma_start3A_428, %dma_start3A_429] : memref<2x40x16xf32, #tpu.memory_space<vmem>> -> memref<1x40x16xf32, #tpu.memory_space<vmem>>
      %dma_start3A_431 = tpu.memref_squeeze %dma_start3A_430 : memref<1x40x16xf32, #tpu.memory_space<vmem>> -> memref<40x16xf32, #tpu.memory_space<vmem>>
      tpu.enqueue_dma source(%dma_start3A_431 : memref<40x16xf32, #tpu.memory_space<vmem>>) target(%dma_start3A_427 : memref<40x16xf32, #tpu.memory_space<hbm>>) target_semaphore(%dma_start3A_425 : memref<!tpu.dma_semaphore, #tpu.memory_space<semaphore_mem>>)
      %mul3A_432 = arith.constant 2 : i32
      %mul3A_433 = arith.muli %mul3A_432, %scan3A_229 : i32
      %add3A_434 = arith.constant 1 : i32
      %add3A_435 = arith.addi %mul3A_433, %add3A_434 : i32
      %add3A_436 = arith.constant 1 : i32
      %add3A_437 = arith.addi %mul3A_232, %add3A_436 : i32
      %add3A_438 = arith.constant 1 : i32
      %add3A_439 = arith.addi %mul3A_232, %add3A_438 : i32
      %add3A_440 = arith.constant 1 : i32
      %add3A_441 = arith.addi %add3A_439, %add3A_440 : i32
      %rem3A_442 = arith.constant 4 : i32
      %rem3A_443 = arith.remsi %add3A_441, %rem3A_442 : i32
      %add3A_444 = arith.constant 1 : i32
      %add3A_445 = arith.addi %mul3A_232, %add3A_444 : i32
      %add3A_446 = arith.constant 2 : i32
      %add3A_447 = arith.addi %add3A_445, %add3A_446 : i32
      %rem3A_448 = arith.constant 4 : i32
      %rem3A_449 = arith.remsi %add3A_447, %rem3A_448 : i32
      %dma_wait3A_450 = arith.constant 0 : i32
      %dma_wait3A_451 = arith.constant 0 : i32
      %dma_wait3A_452 = arith.constant 0 : i32
      %dma_wait3A_453 = arith.constant 0 : i32
      %dma_wait3A_454 = tpu.memref_slice %arg17[%dma_wait3A_450, %dma_wait3A_452, %dma_wait3A_453] : memref<2x40x16xf32, #tpu.memory_space<vmem>> -> memref<1x40x16xf32, #tpu.memory_space<vmem>>
      %dma_wait3A_455 = tpu.memref_squeeze %dma_wait3A_454 : memref<1x40x16xf32, #tpu.memory_space<vmem>> -> memref<40x16xf32, #tpu.memory_space<vmem>>
      %dma_wait3A_456 = arith.constant 0 : i32
      %dma_wait3A_457 = arith.constant 0 : i32
      %dma_wait3A_458 = tpu.memref_slice %arg8[%dma_wait3A_456, %dma_wait3A_457] : memref<320000x16xf32, #tpu.memory_space<hbm>> -> memref<40x16xf32, #tpu.memory_space<hbm>>
      %dma_wait3A_459 = tpu.memref_slice %arg21[%dma_wait3A_451] : memref<2x!tpu.dma_semaphore, #tpu.memory_space<semaphore_mem>> -> memref<1x!tpu.dma_semaphore, #tpu.memory_space<semaphore_mem>>
      %dma_wait3A_460 = tpu.memref_squeeze %dma_wait3A_459 : memref<1x!tpu.dma_semaphore, #tpu.memory_space<semaphore_mem>> -> memref<!tpu.dma_semaphore, #tpu.memory_space<semaphore_mem>>
      %dma_wait3A_461 = arith.constant 0 : i32
      %dma_wait3A_462 = arith.constant 0 : i32
      %dma_wait3A_463 = tpu.memref_slice %arg8[%dma_wait3A_461, %dma_wait3A_462] : memref<320000x16xf32, #tpu.memory_space<hbm>> -> memref<40x16xf32, #tpu.memory_space<hbm>>
      %dma_wait3A_464 = arith.constant 0 : i32
      %dma_wait3A_465 = arith.constant 0 : i32
      %dma_wait3A_466 = tpu.memref_slice %arg17[%dma_wait3A_450, %dma_wait3A_464, %dma_wait3A_465] : memref<2x40x16xf32, #tpu.memory_space<vmem>> -> memref<1x40x16xf32, #tpu.memory_space<vmem>>
      %dma_wait3A_467 = tpu.memref_squeeze %dma_wait3A_466 : memref<1x40x16xf32, #tpu.memory_space<vmem>> -> memref<40x16xf32, #tpu.memory_space<vmem>>
      tpu.wait_dma2 semaphore(%dma_wait3A_460 : memref<!tpu.dma_semaphore, #tpu.memory_space<semaphore_mem>>) src(%dma_wait3A_467 : memref<40x16xf32, #tpu.memory_space<vmem>>) dst(%dma_wait3A_463 : memref<40x16xf32, #tpu.memory_space<hbm>>)
      %dma_wait3A_468 = arith.constant 0 : i32
      %dma_wait3A_469 = arith.constant 0 : i32
      %dma_wait3A_470 = arith.constant 0 : i32
      %dma_wait3A_471 = tpu.memref_slice %arg10[%dma_wait3A_468, %dma_wait3A_470] : memref<2x40xi32, #tpu.memory_space<vmem>> -> memref<1x40xi32, #tpu.memory_space<vmem>>
      %dma_wait3A_472 = tpu.memref_squeeze %dma_wait3A_471 : memref<1x40xi32, #tpu.memory_space<vmem>> -> memref<40xi32, #tpu.memory_space<vmem>>
      %dma_wait3A_473 = arith.constant 0 : i32
      %dma_wait3A_474 = tpu.memref_slice %arg2[%dma_wait3A_473] : memref<320000xi32, #tpu.memory_space<hbm>> -> memref<40xi32, #tpu.memory_space<hbm>>
      %dma_wait3A_475 = tpu.memref_slice %arg19[%dma_wait3A_469] : memref<2x!tpu.dma_semaphore, #tpu.memory_space<semaphore_mem>> -> memref<1x!tpu.dma_semaphore, #tpu.memory_space<semaphore_mem>>
      %dma_wait3A_476 = tpu.memref_squeeze %dma_wait3A_475 : memref<1x!tpu.dma_semaphore, #tpu.memory_space<semaphore_mem>> -> memref<!tpu.dma_semaphore, #tpu.memory_space<semaphore_mem>>
      %dma_wait3A_477 = arith.constant 0 : i32
      %dma_wait3A_478 = tpu.memref_slice %arg10[%dma_wait3A_468, %dma_wait3A_477] : memref<2x40xi32, #tpu.memory_space<vmem>> -> memref<1x40xi32, #tpu.memory_space<vmem>>
      %dma_wait3A_479 = tpu.memref_squeeze %dma_wait3A_478 : memref<1x40xi32, #tpu.memory_space<vmem>> -> memref<40xi32, #tpu.memory_space<vmem>>
      %dma_wait3A_480 = arith.constant 0 : i32
      %dma_wait3A_481 = tpu.memref_slice %arg2[%dma_wait3A_480] : memref<320000xi32, #tpu.memory_space<hbm>> -> memref<40xi32, #tpu.memory_space<hbm>>
      tpu.wait_dma2 semaphore(%dma_wait3A_476 : memref<!tpu.dma_semaphore, #tpu.memory_space<semaphore_mem>>) src(%dma_wait3A_481 : memref<40xi32, #tpu.memory_space<hbm>>) dst(%dma_wait3A_479 : memref<40xi32, #tpu.memory_space<vmem>>)
      %dma_wait3A_482 = arith.constant 0 : i32
      %dma_wait3A_483 = arith.constant 0 : i32
      %dma_wait3A_484 = arith.constant 0 : i32
      %dma_wait3A_485 = tpu.memref_slice %arg10[%dma_wait3A_482, %dma_wait3A_484] : memref<2x40xi32, #tpu.memory_space<vmem>> -> memref<1x40xi32, #tpu.memory_space<vmem>>
      %dma_wait3A_486 = tpu.memref_squeeze %dma_wait3A_485 : memref<1x40xi32, #tpu.memory_space<vmem>> -> memref<40xi32, #tpu.memory_space<vmem>>
      %dma_wait3A_487 = arith.constant 0 : i32
      %dma_wait3A_488 = tpu.memref_slice %arg3[%dma_wait3A_487] : memref<320000xi32, #tpu.memory_space<hbm>> -> memref<40xi32, #tpu.memory_space<hbm>>
      %dma_wait3A_489 = tpu.memref_slice %arg19[%dma_wait3A_483] : memref<2x!tpu.dma_semaphore, #tpu.memory_space<semaphore_mem>> -> memref<1x!tpu.dma_semaphore, #tpu.memory_space<semaphore_mem>>
      %dma_wait3A_490 = tpu.memref_squeeze %dma_wait3A_489 : memref<1x!tpu.dma_semaphore, #tpu.memory_space<semaphore_mem>> -> memref<!tpu.dma_semaphore, #tpu.memory_space<semaphore_mem>>
      %dma_wait3A_491 = arith.constant 0 : i32
      %dma_wait3A_492 = tpu.memref_slice %arg10[%dma_wait3A_482, %dma_wait3A_491] : memref<2x40xi32, #tpu.memory_space<vmem>> -> memref<1x40xi32, #tpu.memory_space<vmem>>
      %dma_wait3A_493 = tpu.memref_squeeze %dma_wait3A_492 : memref<1x40xi32, #tpu.memory_space<vmem>> -> memref<40xi32, #tpu.memory_space<vmem>>
      %dma_wait3A_494 = arith.constant 0 : i32
      %dma_wait3A_495 = tpu.memref_slice %arg3[%dma_wait3A_494] : memref<320000xi32, #tpu.memory_space<hbm>> -> memref<40xi32, #tpu.memory_space<hbm>>
      tpu.wait_dma2 semaphore(%dma_wait3A_490 : memref<!tpu.dma_semaphore, #tpu.memory_space<semaphore_mem>>) src(%dma_wait3A_495 : memref<40xi32, #tpu.memory_space<hbm>>) dst(%dma_wait3A_493 : memref<40xi32, #tpu.memory_space<vmem>>)
      %dma_wait3A_496 = arith.constant 1 : i32
      %dma_wait3A_497 = arith.constant 1 : i32
      %dma_wait3A_498 = arith.constant 0 : i32
      %dma_wait3A_499 = arith.constant 0 : i32
      %dma_wait3A_500 = tpu.memref_slice %arg12[%dma_wait3A_496, %dma_wait3A_498, %dma_wait3A_499] : memref<2x40x64xf32, #tpu.memory_space<vmem>> -> memref<1x40x64xf32, #tpu.memory_space<vmem>>
      %dma_wait3A_501 = tpu.memref_squeeze %dma_wait3A_500 : memref<1x40x64xf32, #tpu.memory_space<vmem>> -> memref<40x64xf32, #tpu.memory_space<vmem>>
      %dma_wait3A_502 = arith.constant 0 : i32
      %dma_wait3A_503 = arith.constant 0 : i32
      %dma_wait3A_504 = tpu.memref_slice %arg4[%dma_wait3A_502, %dma_wait3A_503] : memref<10000x64xf32, #tpu.memory_space<hbm>> -> memref<40x64xf32, #tpu.memory_space<hbm>>
      %dma_wait3A_505 = tpu.memref_slice %arg20[%dma_wait3A_497] : memref<2x!tpu.dma_semaphore, #tpu.memory_space<semaphore_mem>> -> memref<1x!tpu.dma_semaphore, #tpu.memory_space<semaphore_mem>>
      %dma_wait3A_506 = tpu.memref_squeeze %dma_wait3A_505 : memref<1x!tpu.dma_semaphore, #tpu.memory_space<semaphore_mem>> -> memref<!tpu.dma_semaphore, #tpu.memory_space<semaphore_mem>>
      %dma_wait3A_507 = arith.constant 0 : i32
      %dma_wait3A_508 = arith.constant 0 : i32
      %dma_wait3A_509 = tpu.memref_slice %arg12[%dma_wait3A_496, %dma_wait3A_507, %dma_wait3A_508] : memref<2x40x64xf32, #tpu.memory_space<vmem>> -> memref<1x40x64xf32, #tpu.memory_space<vmem>>
      %dma_wait3A_510 = tpu.memref_squeeze %dma_wait3A_509 : memref<1x40x64xf32, #tpu.memory_space<vmem>> -> memref<40x64xf32, #tpu.memory_space<vmem>>
      %dma_wait3A_511 = arith.constant 0 : i32
      %dma_wait3A_512 = arith.constant 0 : i32
      %dma_wait3A_513 = tpu.memref_slice %arg4[%dma_wait3A_511, %dma_wait3A_512] : memref<10000x64xf32, #tpu.memory_space<hbm>> -> memref<40x64xf32, #tpu.memory_space<hbm>>
      tpu.wait_dma2 semaphore(%dma_wait3A_506 : memref<!tpu.dma_semaphore, #tpu.memory_space<semaphore_mem>>) src(%dma_wait3A_513 : memref<40x64xf32, #tpu.memory_space<hbm>>) dst(%dma_wait3A_510 : memref<40x64xf32, #tpu.memory_space<vmem>>)
      %dma_wait3A_514 = arith.constant 1 : i32
      %dma_wait3A_515 = arith.constant 1 : i32
      %dma_wait3A_516 = arith.constant 0 : i32
      %dma_wait3A_517 = arith.constant 0 : i32
      %dma_wait3A_518 = tpu.memref_slice %arg13[%dma_wait3A_514, %dma_wait3A_516, %dma_wait3A_517] : memref<2x40x80xf32, #tpu.memory_space<vmem>> -> memref<1x40x80xf32, #tpu.memory_space<vmem>>
      %dma_wait3A_519 = tpu.memref_squeeze %dma_wait3A_518 : memref<1x40x80xf32, #tpu.memory_space<vmem>> -> memref<40x80xf32, #tpu.memory_space<vmem>>
      %dma_wait3A_520 = arith.constant 0 : i32
      %dma_wait3A_521 = arith.constant 0 : i32
      %dma_wait3A_522 = tpu.memref_slice %arg5[%dma_wait3A_520, %dma_wait3A_521] : memref<320000x80xf32, #tpu.memory_space<hbm>> -> memref<40x80xf32, #tpu.memory_space<hbm>>
      %dma_wait3A_523 = tpu.memref_slice %arg20[%dma_wait3A_515] : memref<2x!tpu.dma_semaphore, #tpu.memory_space<semaphore_mem>> -> memref<1x!tpu.dma_semaphore, #tpu.memory_space<semaphore_mem>>
      %dma_wait3A_524 = tpu.memref_squeeze %dma_wait3A_523 : memref<1x!tpu.dma_semaphore, #tpu.memory_space<semaphore_mem>> -> memref<!tpu.dma_semaphore, #tpu.memory_space<semaphore_mem>>
      %dma_wait3A_525 = arith.constant 0 : i32
      %dma_wait3A_526 = arith.constant 0 : i32
      %dma_wait3A_527 = tpu.memref_slice %arg13[%dma_wait3A_514, %dma_wait3A_525, %dma_wait3A_526] : memref<2x40x80xf32, #tpu.memory_space<vmem>> -> memref<1x40x80xf32, #tpu.memory_space<vmem>>
      %dma_wait3A_528 = tpu.memref_squeeze %dma_wait3A_527 : memref<1x40x80xf32, #tpu.memory_space<vmem>> -> memref<40x80xf32, #tpu.memory_space<vmem>>
      %dma_wait3A_529 = arith.constant 0 : i32
      %dma_wait3A_530 = arith.constant 0 : i32
      %dma_wait3A_531 = tpu.memref_slice %arg5[%dma_wait3A_529, %dma_wait3A_530] : memref<320000x80xf32, #tpu.memory_space<hbm>> -> memref<40x80xf32, #tpu.memory_space<hbm>>
      tpu.wait_dma2 semaphore(%dma_wait3A_524 : memref<!tpu.dma_semaphore, #tpu.memory_space<semaphore_mem>>) src(%dma_wait3A_531 : memref<40x80xf32, #tpu.memory_space<hbm>>) dst(%dma_wait3A_528 : memref<40x80xf32, #tpu.memory_space<vmem>>)
      %dma_wait3A_532 = arith.constant 1 : i32
      %dma_wait3A_533 = arith.constant 1 : i32
      %dma_wait3A_534 = arith.constant 0 : i32
      %dma_wait3A_535 = arith.constant 0 : i32
      %dma_wait3A_536 = tpu.memref_slice %arg15[%dma_wait3A_532, %dma_wait3A_534, %dma_wait3A_535] : memref<2x40x16xf32, #tpu.memory_space<vmem>> -> memref<1x40x16xf32, #tpu.memory_space<vmem>>
      %dma_wait3A_537 = tpu.memref_squeeze %dma_wait3A_536 : memref<1x40x16xf32, #tpu.memory_space<vmem>> -> memref<40x16xf32, #tpu.memory_space<vmem>>
      %dma_wait3A_538 = arith.constant 0 : i32
      %dma_wait3A_539 = arith.constant 0 : i32
      %dma_wait3A_540 = tpu.memref_slice %arg6[%dma_wait3A_538, %dma_wait3A_539] : memref<10000x16xf32, #tpu.memory_space<hbm>> -> memref<40x16xf32, #tpu.memory_space<hbm>>
      %dma_wait3A_541 = tpu.memref_slice %arg20[%dma_wait3A_533] : memref<2x!tpu.dma_semaphore, #tpu.memory_space<semaphore_mem>> -> memref<1x!tpu.dma_semaphore, #tpu.memory_space<semaphore_mem>>
      %dma_wait3A_542 = tpu.memref_squeeze %dma_wait3A_541 : memref<1x!tpu.dma_semaphore, #tpu.memory_space<semaphore_mem>> -> memref<!tpu.dma_semaphore, #tpu.memory_space<semaphore_mem>>
      %dma_wait3A_543 = arith.constant 0 : i32
      %dma_wait3A_544 = arith.constant 0 : i32
      %dma_wait3A_545 = tpu.memref_slice %arg15[%dma_wait3A_532, %dma_wait3A_543, %dma_wait3A_544] : memref<2x40x16xf32, #tpu.memory_space<vmem>> -> memref<1x40x16xf32, #tpu.memory_space<vmem>>
      %dma_wait3A_546 = tpu.memref_squeeze %dma_wait3A_545 : memref<1x40x16xf32, #tpu.memory_space<vmem>> -> memref<40x16xf32, #tpu.memory_space<vmem>>
      %dma_wait3A_547 = arith.constant 0 : i32
      %dma_wait3A_548 = arith.constant 0 : i32
      %dma_wait3A_549 = tpu.memref_slice %arg6[%dma_wait3A_547, %dma_wait3A_548] : memref<10000x16xf32, #tpu.memory_space<hbm>> -> memref<40x16xf32, #tpu.memory_space<hbm>>
      tpu.wait_dma2 semaphore(%dma_wait3A_542 : memref<!tpu.dma_semaphore, #tpu.memory_space<semaphore_mem>>) src(%dma_wait3A_549 : memref<40x16xf32, #tpu.memory_space<hbm>>) dst(%dma_wait3A_546 : memref<40x16xf32, #tpu.memory_space<vmem>>)
      %dma_wait3A_550 = arith.constant 1 : i32
      %dma_wait3A_551 = arith.constant 1 : i32
      %dma_wait3A_552 = arith.constant 0 : i32
      %dma_wait3A_553 = arith.constant 0 : i32
      %dma_wait3A_554 = tpu.memref_slice %arg16[%dma_wait3A_550, %dma_wait3A_552, %dma_wait3A_553] : memref<2x40x16xf32, #tpu.memory_space<vmem>> -> memref<1x40x16xf32, #tpu.memory_space<vmem>>
      %dma_wait3A_555 = tpu.memref_squeeze %dma_wait3A_554 : memref<1x40x16xf32, #tpu.memory_space<vmem>> -> memref<40x16xf32, #tpu.memory_space<vmem>>
      %dma_wait3A_556 = arith.constant 0 : i32
      %dma_wait3A_557 = arith.constant 0 : i32
      %dma_wait3A_558 = tpu.memref_slice %arg7[%dma_wait3A_556, %dma_wait3A_557] : memref<10000x16xf32, #tpu.memory_space<hbm>> -> memref<40x16xf32, #tpu.memory_space<hbm>>
      %dma_wait3A_559 = tpu.memref_slice %arg20[%dma_wait3A_551] : memref<2x!tpu.dma_semaphore, #tpu.memory_space<semaphore_mem>> -> memref<1x!tpu.dma_semaphore, #tpu.memory_space<semaphore_mem>>
      %dma_wait3A_560 = tpu.memref_squeeze %dma_wait3A_559 : memref<1x!tpu.dma_semaphore, #tpu.memory_space<semaphore_mem>> -> memref<!tpu.dma_semaphore, #tpu.memory_space<semaphore_mem>>
      %dma_wait3A_561 = arith.constant 0 : i32
      %dma_wait3A_562 = arith.constant 0 : i32
      %dma_wait3A_563 = tpu.memref_slice %arg16[%dma_wait3A_550, %dma_wait3A_561, %dma_wait3A_562] : memref<2x40x16xf32, #tpu.memory_space<vmem>> -> memref<1x40x16xf32, #tpu.memory_space<vmem>>
      %dma_wait3A_564 = tpu.memref_squeeze %dma_wait3A_563 : memref<1x40x16xf32, #tpu.memory_space<vmem>> -> memref<40x16xf32, #tpu.memory_space<vmem>>
      %dma_wait3A_565 = arith.constant 0 : i32
      %dma_wait3A_566 = arith.constant 0 : i32
      %dma_wait3A_567 = tpu.memref_slice %arg7[%dma_wait3A_565, %dma_wait3A_566] : memref<10000x16xf32, #tpu.memory_space<hbm>> -> memref<40x16xf32, #tpu.memory_space<hbm>>
      tpu.wait_dma2 semaphore(%dma_wait3A_560 : memref<!tpu.dma_semaphore, #tpu.memory_space<semaphore_mem>>) src(%dma_wait3A_567 : memref<40x16xf32, #tpu.memory_space<hbm>>) dst(%dma_wait3A_564 : memref<40x16xf32, #tpu.memory_space<vmem>>)
      %lt3A_568 = arith.constant 249 : i32
      %lt3A_569 = arith.cmpi slt, %add3A_435, %lt3A_568 : i32
      %convert_element_type3A_570 = arith.extui %lt3A_569 : i1 to i32
      %cond3A_571 = arith.constant 0 : i32
      %cond3A_572 = arith.cmpi ne, %convert_element_type3A_570, %cond3A_571 : i32
      scf.if %cond3A_572 {
        %add3A_649 = arith.constant 1 : i32
        %add3A_650 = arith.addi %add3A_435, %add3A_649 : i32
        %mul3A_651 = arith.constant 40 : i32
        %mul3A_652 = arith.muli %add3A_650, %mul3A_651 : i32
        %add3A_653 = arith.addi %mul3A_2, %mul3A_652 : i32
        %multiple_of3A_654 = tpu.assume_multiple %add3A_653, 8 : i32
        %dma_start3A_655 = arith.constant 0 : i32
        %dma_start3A_656 = arith.constant 0 : i32
        %dma_start3A_657 = arith.constant 0 : i32
        %dma_start3A_658 = arith.constant 0 : i32
        %dma_start3A_659 = arith.constant 0 : i32
        %dma_start3A_660 = tpu.memref_slice %arg12[%dma_start3A_656, %dma_start3A_658, %dma_start3A_659] : memref<2x40x64xf32, #tpu.memory_space<vmem>> -> memref<1x40x64xf32, #tpu.memory_space<vmem>>
        %dma_start3A_661 = tpu.memref_squeeze %dma_start3A_660 : memref<1x40x64xf32, #tpu.memory_space<vmem>> -> memref<40x64xf32, #tpu.memory_space<vmem>>
        %dma_start3A_662 = arith.constant 0 : i32
        %dma_start3A_663 = tpu.memref_slice %arg10[%dma_start3A_655, %dma_start3A_662] : memref<2x40xi32, #tpu.memory_space<vmem>> -> memref<1x40xi32, #tpu.memory_space<vmem>>
        %dma_start3A_664 = tpu.memref_squeeze %dma_start3A_663 : memref<1x40xi32, #tpu.memory_space<vmem>> -> memref<40xi32, #tpu.memory_space<vmem>>
        %dma_start3A_665 = arith.constant 0 : i32
        %dma_start3A_666 = arith.constant 0 : i32
        %dma_start3A_667 = tpu.memref_slice %arg4[%dma_start3A_665, %dma_start3A_666] : memref<10000x64xf32, #tpu.memory_space<hbm>> -> memref<10000x64xf32, #tpu.memory_space<hbm>>
        %dma_start3A_668 = tpu.memref_slice %arg20[%dma_start3A_657] : memref<2x!tpu.dma_semaphore, #tpu.memory_space<semaphore_mem>> -> memref<1x!tpu.dma_semaphore, #tpu.memory_space<semaphore_mem>>
        %dma_start3A_669 = tpu.memref_squeeze %dma_start3A_668 : memref<1x!tpu.dma_semaphore, #tpu.memory_space<semaphore_mem>> -> memref<!tpu.dma_semaphore, #tpu.memory_space<semaphore_mem>>
        tpu.enqueue_indirect_dma source(%dma_start3A_667 : memref<10000x64xf32, #tpu.memory_space<hbm>>) target(%dma_start3A_661 : memref<40x64xf32, #tpu.memory_space<vmem>>) offsets(%dma_start3A_664 : memref<40xi32, #tpu.memory_space<vmem>>) semaphore(%dma_start3A_669 : memref<!tpu.dma_semaphore, #tpu.memory_space<semaphore_mem>>)
        %dma_start3A_670 = arith.constant 0 : i32
        %dma_start3A_671 = arith.constant 0 : i32
        %dma_start3A_672 = arith.constant 0 : i32
        %dma_start3A_673 = arith.constant 0 : i32
        %dma_start3A_674 = tpu.memref_slice %arg13[%dma_start3A_670, %dma_start3A_672, %dma_start3A_673] : memref<2x40x80xf32, #tpu.memory_space<vmem>> -> memref<1x40x80xf32, #tpu.memory_space<vmem>>
        %dma_start3A_675 = tpu.memref_squeeze %dma_start3A_674 : memref<1x40x80xf32, #tpu.memory_space<vmem>> -> memref<40x80xf32, #tpu.memory_space<vmem>>
        %dma_start3A_676 = arith.constant 0 : i32
        %dma_start3A_677 = tpu.memref_slice %arg5[%multiple_of3A_654, %dma_start3A_676] : memref<320000x80xf32, #tpu.memory_space<hbm>> -> memref<40x80xf32, #tpu.memory_space<hbm>>
        %dma_start3A_678 = tpu.memref_slice %arg20[%dma_start3A_671] : memref<2x!tpu.dma_semaphore, #tpu.memory_space<semaphore_mem>> -> memref<1x!tpu.dma_semaphore, #tpu.memory_space<semaphore_mem>>
        %dma_start3A_679 = tpu.memref_squeeze %dma_start3A_678 : memref<1x!tpu.dma_semaphore, #tpu.memory_space<semaphore_mem>> -> memref<!tpu.dma_semaphore, #tpu.memory_space<semaphore_mem>>
        %dma_start3A_680 = arith.constant 0 : i32
        %dma_start3A_681 = arith.constant 0 : i32
        %dma_start3A_682 = tpu.memref_slice %arg13[%dma_start3A_670, %dma_start3A_680, %dma_start3A_681] : memref<2x40x80xf32, #tpu.memory_space<vmem>> -> memref<1x40x80xf32, #tpu.memory_space<vmem>>
        %dma_start3A_683 = tpu.memref_squeeze %dma_start3A_682 : memref<1x40x80xf32, #tpu.memory_space<vmem>> -> memref<40x80xf32, #tpu.memory_space<vmem>>
        %dma_start3A_684 = arith.constant 0 : i32
        %dma_start3A_685 = tpu.memref_slice %arg5[%multiple_of3A_654, %dma_start3A_684] : memref<320000x80xf32, #tpu.memory_space<hbm>> -> memref<40x80xf32, #tpu.memory_space<hbm>>
        tpu.enqueue_dma source(%dma_start3A_685 : memref<40x80xf32, #tpu.memory_space<hbm>>) target(%dma_start3A_683 : memref<40x80xf32, #tpu.memory_space<vmem>>) target_semaphore(%dma_start3A_679 : memref<!tpu.dma_semaphore, #tpu.memory_space<semaphore_mem>>)
        %dma_start3A_686 = arith.constant 0 : i32
        %dma_start3A_687 = arith.constant 0 : i32
        %dma_start3A_688 = arith.constant 0 : i32
        %dma_start3A_689 = arith.constant 0 : i32
        %dma_start3A_690 = arith.constant 0 : i32
        %dma_start3A_691 = tpu.memref_slice %arg15[%dma_start3A_687, %dma_start3A_689, %dma_start3A_690] : memref<2x40x16xf32, #tpu.memory_space<vmem>> -> memref<1x40x16xf32, #tpu.memory_space<vmem>>
        %dma_start3A_692 = tpu.memref_squeeze %dma_start3A_691 : memref<1x40x16xf32, #tpu.memory_space<vmem>> -> memref<40x16xf32, #tpu.memory_space<vmem>>
        %dma_start3A_693 = arith.constant 0 : i32
        %dma_start3A_694 = tpu.memref_slice %arg10[%dma_start3A_686, %dma_start3A_693] : memref<2x40xi32, #tpu.memory_space<vmem>> -> memref<1x40xi32, #tpu.memory_space<vmem>>
        %dma_start3A_695 = tpu.memref_squeeze %dma_start3A_694 : memref<1x40xi32, #tpu.memory_space<vmem>> -> memref<40xi32, #tpu.memory_space<vmem>>
        %dma_start3A_696 = arith.constant 0 : i32
        %dma_start3A_697 = arith.constant 0 : i32
        %dma_start3A_698 = tpu.memref_slice %arg6[%dma_start3A_696, %dma_start3A_697] : memref<10000x16xf32, #tpu.memory_space<hbm>> -> memref<10000x16xf32, #tpu.memory_space<hbm>>
        %dma_start3A_699 = tpu.memref_slice %arg20[%dma_start3A_688] : memref<2x!tpu.dma_semaphore, #tpu.memory_space<semaphore_mem>> -> memref<1x!tpu.dma_semaphore, #tpu.memory_space<semaphore_mem>>
        %dma_start3A_700 = tpu.memref_squeeze %dma_start3A_699 : memref<1x!tpu.dma_semaphore, #tpu.memory_space<semaphore_mem>> -> memref<!tpu.dma_semaphore, #tpu.memory_space<semaphore_mem>>
        tpu.enqueue_indirect_dma source(%dma_start3A_698 : memref<10000x16xf32, #tpu.memory_space<hbm>>) target(%dma_start3A_692 : memref<40x16xf32, #tpu.memory_space<vmem>>) offsets(%dma_start3A_695 : memref<40xi32, #tpu.memory_space<vmem>>) semaphore(%dma_start3A_700 : memref<!tpu.dma_semaphore, #tpu.memory_space<semaphore_mem>>)
        %dma_start3A_701 = arith.constant 0 : i32
        %dma_start3A_702 = arith.constant 0 : i32
        %dma_start3A_703 = arith.constant 0 : i32
        %dma_start3A_704 = arith.constant 0 : i32
        %dma_start3A_705 = tpu.memref_slice %arg16[%dma_start3A_701, %dma_start3A_703, %dma_start3A_704] : memref<2x40x16xf32, #tpu.memory_space<vmem>> -> memref<1x40x16xf32, #tpu.memory_space<vmem>>
        %dma_start3A_706 = tpu.memref_squeeze %dma_start3A_705 : memref<1x40x16xf32, #tpu.memory_space<vmem>> -> memref<40x16xf32, #tpu.memory_space<vmem>>
        %dma_start3A_707 = arith.constant 0 : i32
        %dma_start3A_708 = tpu.memref_slice %arg11[%rem3A_443, %dma_start3A_707] : memref<4x40xi32, #tpu.memory_space<vmem>> -> memref<1x40xi32, #tpu.memory_space<vmem>>
        %dma_start3A_709 = tpu.memref_squeeze %dma_start3A_708 : memref<1x40xi32, #tpu.memory_space<vmem>> -> memref<40xi32, #tpu.memory_space<vmem>>
        %dma_start3A_710 = arith.constant 0 : i32
        %dma_start3A_711 = arith.constant 0 : i32
        %dma_start3A_712 = tpu.memref_slice %arg7[%dma_start3A_710, %dma_start3A_711] : memref<10000x16xf32, #tpu.memory_space<hbm>> -> memref<10000x16xf32, #tpu.memory_space<hbm>>
        %dma_start3A_713 = tpu.memref_slice %arg20[%dma_start3A_702] : memref<2x!tpu.dma_semaphore, #tpu.memory_space<semaphore_mem>> -> memref<1x!tpu.dma_semaphore, #tpu.memory_space<semaphore_mem>>
        %dma_start3A_714 = tpu.memref_squeeze %dma_start3A_713 : memref<1x!tpu.dma_semaphore, #tpu.memory_space<semaphore_mem>> -> memref<!tpu.dma_semaphore, #tpu.memory_space<semaphore_mem>>
        tpu.enqueue_indirect_dma source(%dma_start3A_712 : memref<10000x16xf32, #tpu.memory_space<hbm>>) target(%dma_start3A_706 : memref<40x16xf32, #tpu.memory_space<vmem>>) offsets(%dma_start3A_709 : memref<40xi32, #tpu.memory_space<vmem>>) semaphore(%dma_start3A_714 : memref<!tpu.dma_semaphore, #tpu.memory_space<semaphore_mem>>)
      } else {
      }
      %gt3A_573 = arith.constant 0 : i32
      %gt3A_574 = arith.cmpi sgt, %scan3A_229, %gt3A_573 : i32
      %convert_element_type3A_575 = arith.extui %gt3A_574 : i1 to i32
      %cond3A_576 = arith.constant 0 : i32
      %cond3A_577 = arith.cmpi ne, %convert_element_type3A_575, %cond3A_576 : i32
      scf.if %cond3A_577 {
        %dma_wait3A_649 = arith.constant 1 : i32
        %dma_wait3A_650 = arith.constant 1 : i32
        %dma_wait3A_651 = arith.constant 1 : i32
        %dma_wait3A_652 = arith.constant 0 : i32
        %dma_wait3A_653 = arith.constant 0 : i32
        %dma_wait3A_654 = tpu.memref_slice %arg14[%dma_wait3A_649, %dma_wait3A_652, %dma_wait3A_653] : memref<2x40x144xf32, #tpu.memory_space<vmem>> -> memref<1x40x144xf32, #tpu.memory_space<vmem>>
        %dma_wait3A_655 = tpu.memref_squeeze %dma_wait3A_654 : memref<1x40x144xf32, #tpu.memory_space<vmem>> -> memref<40x144xf32, #tpu.memory_space<vmem>>
        %dma_wait3A_656 = arith.constant 0 : i32
        %dma_wait3A_657 = tpu.memref_slice %arg11[%dma_wait3A_650, %dma_wait3A_656] : memref<4x40xi32, #tpu.memory_space<vmem>> -> memref<1x40xi32, #tpu.memory_space<vmem>>
        %dma_wait3A_658 = tpu.memref_squeeze %dma_wait3A_657 : memref<1x40xi32, #tpu.memory_space<vmem>> -> memref<40xi32, #tpu.memory_space<vmem>>
        %dma_wait3A_659 = arith.constant 0 : i32
        %dma_wait3A_660 = arith.constant 0 : i32
        %dma_wait3A_661 = tpu.memref_slice %arg18[%dma_wait3A_659, %dma_wait3A_660] : memref<10240x144xf32, #tpu.memory_space<vmem_shared>> -> memref<10240x144xf32, #tpu.memory_space<vmem_shared>>
        %dma_wait3A_662 = tpu.memref_slice %arg22[%dma_wait3A_651] : memref<2x!tpu.dma_semaphore, #tpu.memory_space<semaphore_mem>> -> memref<1x!tpu.dma_semaphore, #tpu.memory_space<semaphore_mem>>
        %dma_wait3A_663 = tpu.memref_squeeze %dma_wait3A_662 : memref<1x!tpu.dma_semaphore, #tpu.memory_space<semaphore_mem>> -> memref<!tpu.dma_semaphore, #tpu.memory_space<semaphore_mem>>
        tpu.wait_indirect_dma semaphore(%dma_wait3A_663 : memref<!tpu.dma_semaphore, #tpu.memory_space<semaphore_mem>>) src(%dma_wait3A_655 : memref<40x144xf32, #tpu.memory_space<vmem>>) dst(%dma_wait3A_661 : memref<10240x144xf32, #tpu.memory_space<vmem_shared>>)
      } else {
      }
      %add3A_578 = arith.constant 2 : i32
      %add3A_579 = arith.addi %add3A_435, %add3A_578 : i32
      %min3A_580 = arith.constant 249 : i32
      %min3A_581 = arith.minsi %add3A_579, %min3A_580 : i32
      %mul3A_582 = arith.constant 40 : i32
      %mul3A_583 = arith.muli %min3A_581, %mul3A_582 : i32
      %add3A_584 = arith.addi %mul3A_2, %mul3A_583 : i32
      %multiple_of3A_585 = tpu.assume_multiple %add3A_584, 8 : i32
      %dma_start3A_586 = arith.constant 1 : i32
      %dma_start3A_587 = arith.constant 1 : i32
      %dma_start3A_588 = arith.constant 0 : i32
      %dma_start3A_589 = tpu.memref_slice %arg10[%dma_start3A_586, %dma_start3A_588] : memref<2x40xi32, #tpu.memory_space<vmem>> -> memref<1x40xi32, #tpu.memory_space<vmem>>
      %dma_start3A_590 = tpu.memref_squeeze %dma_start3A_589 : memref<1x40xi32, #tpu.memory_space<vmem>> -> memref<40xi32, #tpu.memory_space<vmem>>
      %dma_start3A_591 = tpu.memref_slice %arg2[%multiple_of3A_585] : memref<320000xi32, #tpu.memory_space<hbm>> -> memref<40xi32, #tpu.memory_space<hbm>>
      %dma_start3A_592 = tpu.memref_slice %arg19[%dma_start3A_587] : memref<2x!tpu.dma_semaphore, #tpu.memory_space<semaphore_mem>> -> memref<1x!tpu.dma_semaphore, #tpu.memory_space<semaphore_mem>>
      %dma_start3A_593 = tpu.memref_squeeze %dma_start3A_592 : memref<1x!tpu.dma_semaphore, #tpu.memory_space<semaphore_mem>> -> memref<!tpu.dma_semaphore, #tpu.memory_space<semaphore_mem>>
      %dma_start3A_594 = arith.constant 0 : i32
      %dma_start3A_595 = tpu.memref_slice %arg10[%dma_start3A_586, %dma_start3A_594] : memref<2x40xi32, #tpu.memory_space<vmem>> -> memref<1x40xi32, #tpu.memory_space<vmem>>
      %dma_start3A_596 = tpu.memref_squeeze %dma_start3A_595 : memref<1x40xi32, #tpu.memory_space<vmem>> -> memref<40xi32, #tpu.memory_space<vmem>>
      %dma_start3A_597 = tpu.memref_slice %arg2[%multiple_of3A_585] : memref<320000xi32, #tpu.memory_space<hbm>> -> memref<40xi32, #tpu.memory_space<hbm>>
      tpu.enqueue_dma source(%dma_start3A_597 : memref<40xi32, #tpu.memory_space<hbm>>) target(%dma_start3A_596 : memref<40xi32, #tpu.memory_space<vmem>>) target_semaphore(%dma_start3A_593 : memref<!tpu.dma_semaphore, #tpu.memory_space<semaphore_mem>>)
      %dma_start3A_598 = arith.constant 1 : i32
      %dma_start3A_599 = arith.constant 0 : i32
      %dma_start3A_600 = tpu.memref_slice %arg11[%rem3A_449, %dma_start3A_599] : memref<4x40xi32, #tpu.memory_space<vmem>> -> memref<1x40xi32, #tpu.memory_space<vmem>>
      %dma_start3A_601 = tpu.memref_squeeze %dma_start3A_600 : memref<1x40xi32, #tpu.memory_space<vmem>> -> memref<40xi32, #tpu.memory_space<vmem>>
      %dma_start3A_602 = tpu.memref_slice %arg3[%multiple_of3A_585] : memref<320000xi32, #tpu.memory_space<hbm>> -> memref<40xi32, #tpu.memory_space<hbm>>
      %dma_start3A_603 = tpu.memref_slice %arg19[%dma_start3A_598] : memref<2x!tpu.dma_semaphore, #tpu.memory_space<semaphore_mem>> -> memref<1x!tpu.dma_semaphore, #tpu.memory_space<semaphore_mem>>
      %dma_start3A_604 = tpu.memref_squeeze %dma_start3A_603 : memref<1x!tpu.dma_semaphore, #tpu.memory_space<semaphore_mem>> -> memref<!tpu.dma_semaphore, #tpu.memory_space<semaphore_mem>>
      %dma_start3A_605 = arith.constant 0 : i32
      %dma_start3A_606 = tpu.memref_slice %arg11[%rem3A_449, %dma_start3A_605] : memref<4x40xi32, #tpu.memory_space<vmem>> -> memref<1x40xi32, #tpu.memory_space<vmem>>
      %dma_start3A_607 = tpu.memref_squeeze %dma_start3A_606 : memref<1x40xi32, #tpu.memory_space<vmem>> -> memref<40xi32, #tpu.memory_space<vmem>>
      %dma_start3A_608 = tpu.memref_slice %arg3[%multiple_of3A_585] : memref<320000xi32, #tpu.memory_space<hbm>> -> memref<40xi32, #tpu.memory_space<hbm>>
      tpu.enqueue_dma source(%dma_start3A_608 : memref<40xi32, #tpu.memory_space<hbm>>) target(%dma_start3A_607 : memref<40xi32, #tpu.memory_space<vmem>>) target_semaphore(%dma_start3A_604 : memref<!tpu.dma_semaphore, #tpu.memory_space<semaphore_mem>>)
      %scan3A_609 = arith.constant 0 : i32
      %scan3A_610 = arith.constant 0 : i32
      %scan3A_611 = arith.constant 40 : i32
      %scan3A_612 = arith.addi %scan3A_610, %scan3A_611 : i32
      %scan3A_613 = arith.constant 1 : i32
      scf.for %scan3A_649 = %scan3A_610 to %scan3A_612 step %scan3A_613  : i32 {
        %get3A = arith.constant 1 : i32
        %get3A_650 = arith.index_cast %get3A : i32 to index
        %get3A_651 = arith.index_cast %scan3A_649 : i32 to index
        %get3A_652 = arith.constant 0 : index
        %get3A_653 = tpu.vector_load %arg12[%get3A_650, %get3A_651, %get3A_652] {strides = array<i32>} : memref<2x40x64xf32, #tpu.memory_space<vmem>>, vector<16xf32>,
        %bitcast3A = vector.bitcast %get3A_653 : vector<16xf32> to vector<32xbf16>
        %get3A_654 = arith.constant 1 : i32
        %get3A_655 = arith.index_cast %get3A_654 : i32 to index
        %get3A_656 = arith.index_cast %scan3A_649 : i32 to index
        %get3A_657 = arith.constant 0 : index
        %get3A_658 = tpu.vector_load %arg13[%get3A_655, %get3A_656, %get3A_657] {strides = array<i32>} : memref<2x40x80xf32, #tpu.memory_space<vmem>>, vector<16xf32>,
        %bitcast3A_659 = vector.bitcast %get3A_658 : vector<16xf32> to vector<32xbf16>
        %add3A_660 = arith.addf %bitcast3A, %bitcast3A_659 : vector<32xbf16>
        %max3A = arith.maximumf %add3A_660, %broadcast_in_dim3A_27 : vector<32xbf16>
        %unpack3A = tpu.unpack_subelements %max3A, 0 {pack_format = #tpu.pack_format<interleaved>} : vector<32xbf16> -> vector<16xf32>
        %unpack3A_661 = tpu.unpack_subelements %max3A, 1 {pack_format = #tpu.pack_format<interleaved>} : vector<32xbf16> -> vector<16xf32>
        %swap3A = arith.constant 1 : i32
        %swap3A_662 = arith.index_cast %swap3A : i32 to index
        %swap3A_663 = arith.index_cast %scan3A_649 : i32 to index
        %swap3A_664 = arith.constant 0 : index
        %swap3A_665 = tpu.vector_load %arg14[%swap3A_662, %swap3A_663, %swap3A_664] {strides = array<i32>} : memref<2x40x144xf32, #tpu.memory_space<vmem>>, vector<16xf32>,
        tpu.vector_store %arg14[%swap3A_662, %swap3A_663, %swap3A_664], %unpack3A {strides = array<i32>} : memref<2x40x144xf32, #tpu.memory_space<vmem>>, vector<16xf32>,
        %swap3A_666 = arith.constant 1 : i32
        %swap3A_667 = arith.index_cast %swap3A_666 : i32 to index
        %swap3A_668 = arith.index_cast %scan3A_649 : i32 to index
        %swap3A_669 = arith.constant 64 : index
        %swap3A_670 = tpu.vector_load %arg14[%swap3A_667, %swap3A_668, %swap3A_669] {strides = array<i32>} : memref<2x40x144xf32, #tpu.memory_space<vmem>>, vector<16xf32>,
        tpu.vector_store %arg14[%swap3A_667, %swap3A_668, %swap3A_669], %unpack3A_661 {strides = array<i32>} : memref<2x40x144xf32, #tpu.memory_space<vmem>>, vector<16xf32>,
        %get3A_671 = arith.constant 1 : i32
        %get3A_672 = arith.index_cast %get3A_671 : i32 to index
        %get3A_673 = arith.index_cast %scan3A_649 : i32 to index
        %get3A_674 = arith.constant 16 : index
        %get3A_675 = tpu.vector_load %arg12[%get3A_672, %get3A_673, %get3A_674] {strides = array<i32>} : memref<2x40x64xf32, #tpu.memory_space<vmem>>, vector<16xf32>,
        %bitcast3A_676 = vector.bitcast %get3A_675 : vector<16xf32> to vector<32xbf16>
        %get3A_677 = arith.constant 1 : i32
        %get3A_678 = arith.index_cast %get3A_677 : i32 to index
        %get3A_679 = arith.index_cast %scan3A_649 : i32 to index
        %get3A_680 = arith.constant 16 : index
        %get3A_681 = tpu.vector_load %arg13[%get3A_678, %get3A_679, %get3A_680] {strides = array<i32>} : memref<2x40x80xf32, #tpu.memory_space<vmem>>, vector<16xf32>,
        %bitcast3A_682 = vector.bitcast %get3A_681 : vector<16xf32> to vector<32xbf16>
        %add3A_683 = arith.addf %bitcast3A_676, %bitcast3A_682 : vector<32xbf16>
        %max3A_684 = arith.maximumf %add3A_683, %broadcast_in_dim3A_27 : vector<32xbf16>
        %unpack3A_685 = tpu.unpack_subelements %max3A_684, 0 {pack_format = #tpu.pack_format<interleaved>} : vector<32xbf16> -> vector<16xf32>
        %unpack3A_686 = tpu.unpack_subelements %max3A_684, 1 {pack_format = #tpu.pack_format<interleaved>} : vector<32xbf16> -> vector<16xf32>
        %swap3A_687 = arith.constant 1 : i32
        %swap3A_688 = arith.index_cast %swap3A_687 : i32 to index
        %swap3A_689 = arith.index_cast %scan3A_649 : i32 to index
        %swap3A_690 = arith.constant 16 : index
        %swap3A_691 = tpu.vector_load %arg14[%swap3A_688, %swap3A_689, %swap3A_690] {strides = array<i32>} : memref<2x40x144xf32, #tpu.memory_space<vmem>>, vector<16xf32>,
        tpu.vector_store %arg14[%swap3A_688, %swap3A_689, %swap3A_690], %unpack3A_685 {strides = array<i32>} : memref<2x40x144xf32, #tpu.memory_space<vmem>>, vector<16xf32>,
        %swap3A_692 = arith.constant 1 : i32
        %swap3A_693 = arith.index_cast %swap3A_692 : i32 to index
        %swap3A_694 = arith.index_cast %scan3A_649 : i32 to index
        %swap3A_695 = arith.constant 80 : index
        %swap3A_696 = tpu.vector_load %arg14[%swap3A_693, %swap3A_694, %swap3A_695] {strides = array<i32>} : memref<2x40x144xf32, #tpu.memory_space<vmem>>, vector<16xf32>,
        tpu.vector_store %arg14[%swap3A_693, %swap3A_694, %swap3A_695], %unpack3A_686 {strides = array<i32>} : memref<2x40x144xf32, #tpu.memory_space<vmem>>, vector<16xf32>,
        %get3A_697 = arith.constant 1 : i32
        %get3A_698 = arith.index_cast %get3A_697 : i32 to index
        %get3A_699 = arith.index_cast %scan3A_649 : i32 to index
        %get3A_700 = arith.constant 32 : index
        %get3A_701 = tpu.vector_load %arg12[%get3A_698, %get3A_699, %get3A_700] {strides = array<i32>} : memref<2x40x64xf32, #tpu.memory_space<vmem>>, vector<16xf32>,
        %bitcast3A_702 = vector.bitcast %get3A_701 : vector<16xf32> to vector<32xbf16>
        %get3A_703 = arith.constant 1 : i32
        %get3A_704 = arith.index_cast %get3A_703 : i32 to index
        %get3A_705 = arith.index_cast %scan3A_649 : i32 to index
        %get3A_706 = arith.constant 32 : index
        %get3A_707 = tpu.vector_load %arg13[%get3A_704, %get3A_705, %get3A_706] {strides = array<i32>} : memref<2x40x80xf32, #tpu.memory_space<vmem>>, vector<16xf32>,
        %bitcast3A_708 = vector.bitcast %get3A_707 : vector<16xf32> to vector<32xbf16>
        %add3A_709 = arith.addf %bitcast3A_702, %bitcast3A_708 : vector<32xbf16>
        %max3A_710 = arith.maximumf %add3A_709, %broadcast_in_dim3A_27 : vector<32xbf16>
        %unpack3A_711 = tpu.unpack_subelements %max3A_710, 0 {pack_format = #tpu.pack_format<interleaved>} : vector<32xbf16> -> vector<16xf32>
        %unpack3A_712 = tpu.unpack_subelements %max3A_710, 1 {pack_format = #tpu.pack_format<interleaved>} : vector<32xbf16> -> vector<16xf32>
        %swap3A_713 = arith.constant 1 : i32
        %swap3A_714 = arith.index_cast %swap3A_713 : i32 to index
        %swap3A_715 = arith.index_cast %scan3A_649 : i32 to index
        %swap3A_716 = arith.constant 32 : index
        %swap3A_717 = tpu.vector_load %arg14[%swap3A_714, %swap3A_715, %swap3A_716] {strides = array<i32>} : memref<2x40x144xf32, #tpu.memory_space<vmem>>, vector<16xf32>,
        tpu.vector_store %arg14[%swap3A_714, %swap3A_715, %swap3A_716], %unpack3A_711 {strides = array<i32>} : memref<2x40x144xf32, #tpu.memory_space<vmem>>, vector<16xf32>,
        %swap3A_718 = arith.constant 1 : i32
        %swap3A_719 = arith.index_cast %swap3A_718 : i32 to index
        %swap3A_720 = arith.index_cast %scan3A_649 : i32 to index
        %swap3A_721 = arith.constant 96 : index
        %swap3A_722 = tpu.vector_load %arg14[%swap3A_719, %swap3A_720, %swap3A_721] {strides = array<i32>} : memref<2x40x144xf32, #tpu.memory_space<vmem>>, vector<16xf32>,
        tpu.vector_store %arg14[%swap3A_719, %swap3A_720, %swap3A_721], %unpack3A_712 {strides = array<i32>} : memref<2x40x144xf32, #tpu.memory_space<vmem>>, vector<16xf32>,
        %get3A_723 = arith.constant 1 : i32
        %get3A_724 = arith.index_cast %get3A_723 : i32 to index
        %get3A_725 = arith.index_cast %scan3A_649 : i32 to index
        %get3A_726 = arith.constant 48 : index
        %get3A_727 = tpu.vector_load %arg12[%get3A_724, %get3A_725, %get3A_726] {strides = array<i32>} : memref<2x40x64xf32, #tpu.memory_space<vmem>>, vector<16xf32>,
        %bitcast3A_728 = vector.bitcast %get3A_727 : vector<16xf32> to vector<32xbf16>
        %get3A_729 = arith.constant 1 : i32
        %get3A_730 = arith.index_cast %get3A_729 : i32 to index
        %get3A_731 = arith.index_cast %scan3A_649 : i32 to index
        %get3A_732 = arith.constant 48 : index
        %get3A_733 = tpu.vector_load %arg13[%get3A_730, %get3A_731, %get3A_732] {strides = array<i32>} : memref<2x40x80xf32, #tpu.memory_space<vmem>>, vector<16xf32>,
        %bitcast3A_734 = vector.bitcast %get3A_733 : vector<16xf32> to vector<32xbf16>
        %add3A_735 = arith.addf %bitcast3A_728, %bitcast3A_734 : vector<32xbf16>
        %max3A_736 = arith.maximumf %add3A_735, %broadcast_in_dim3A_27 : vector<32xbf16>
        %unpack3A_737 = tpu.unpack_subelements %max3A_736, 0 {pack_format = #tpu.pack_format<interleaved>} : vector<32xbf16> -> vector<16xf32>
        %unpack3A_738 = tpu.unpack_subelements %max3A_736, 1 {pack_format = #tpu.pack_format<interleaved>} : vector<32xbf16> -> vector<16xf32>
        %swap3A_739 = arith.constant 1 : i32
        %swap3A_740 = arith.index_cast %swap3A_739 : i32 to index
        %swap3A_741 = arith.index_cast %scan3A_649 : i32 to index
        %swap3A_742 = arith.constant 48 : index
        %swap3A_743 = tpu.vector_load %arg14[%swap3A_740, %swap3A_741, %swap3A_742] {strides = array<i32>} : memref<2x40x144xf32, #tpu.memory_space<vmem>>, vector<16xf32>,
        tpu.vector_store %arg14[%swap3A_740, %swap3A_741, %swap3A_742], %unpack3A_737 {strides = array<i32>} : memref<2x40x144xf32, #tpu.memory_space<vmem>>, vector<16xf32>,
        %swap3A_744 = arith.constant 1 : i32
        %swap3A_745 = arith.index_cast %swap3A_744 : i32 to index
        %swap3A_746 = arith.index_cast %scan3A_649 : i32 to index
        %swap3A_747 = arith.constant 112 : index
        %swap3A_748 = tpu.vector_load %arg14[%swap3A_745, %swap3A_746, %swap3A_747] {strides = array<i32>} : memref<2x40x144xf32, #tpu.memory_space<vmem>>, vector<16xf32>,
        tpu.vector_store %arg14[%swap3A_745, %swap3A_746, %swap3A_747], %unpack3A_738 {strides = array<i32>} : memref<2x40x144xf32, #tpu.memory_space<vmem>>, vector<16xf32>,
        %get3A_749 = arith.constant 1 : i32
        %get3A_750 = arith.index_cast %get3A_749 : i32 to index
        %get3A_751 = arith.index_cast %scan3A_649 : i32 to index
        %get3A_752 = arith.constant 64 : index
        %get3A_753 = tpu.vector_load %arg13[%get3A_750, %get3A_751, %get3A_752] {strides = array<i32>} : memref<2x40x80xf32, #tpu.memory_space<vmem>>, vector<16xf32>,
        %bitcast3A_754 = vector.bitcast %get3A_753 : vector<16xf32> to vector<32xbf16>
        %unpack3A_755 = tpu.unpack_subelements %bitcast3A_754, 0 {pack_format = #tpu.pack_format<interleaved>} : vector<32xbf16> -> vector<16xf32>
        %unpack3A_756 = tpu.unpack_subelements %bitcast3A_754, 1 {pack_format = #tpu.pack_format<interleaved>} : vector<32xbf16> -> vector<16xf32>
        %get3A_757 = arith.constant 1 : i32
        %get3A_758 = arith.index_cast %get3A_757 : i32 to index
        %get3A_759 = arith.index_cast %scan3A_649 : i32 to index
        %get3A_760 = arith.constant 0 : index
        %get3A_761 = tpu.vector_load %arg15[%get3A_758, %get3A_759, %get3A_760] {strides = array<i32>} : memref<2x40x16xf32, #tpu.memory_space<vmem>>, vector<16xf32>,
        %add3A_762 = arith.addf %unpack3A_755, %get3A_761 : vector<16xf32>
        %get3A_763 = arith.constant 1 : i32
        %get3A_764 = arith.index_cast %get3A_763 : i32 to index
        %get3A_765 = arith.index_cast %scan3A_649 : i32 to index
        %get3A_766 = arith.constant 0 : index
        %get3A_767 = tpu.vector_load %arg16[%get3A_764, %get3A_765, %get3A_766] {strides = array<i32>} : memref<2x40x16xf32, #tpu.memory_space<vmem>>, vector<16xf32>,
        %add3A_768 = arith.addf %add3A_762, %get3A_767 : vector<16xf32>
        %max3A_769 = arith.constant 0.000000e+00 : f32
        %max3A_770 = vector.broadcast %max3A_769 : f32 to vector<16xf32>
        %max3A_771 = arith.maximumf %add3A_768, %max3A_770 : vector<16xf32>
        %swap3A_772 = arith.constant 1 : i32
        %swap3A_773 = arith.index_cast %swap3A_772 : i32 to index
        %swap3A_774 = arith.index_cast %scan3A_649 : i32 to index
        %swap3A_775 = arith.constant 0 : index
        %swap3A_776 = tpu.vector_load %arg17[%swap3A_773, %swap3A_774, %swap3A_775] {strides = array<i32>} : memref<2x40x16xf32, #tpu.memory_space<vmem>>, vector<16xf32>,
        tpu.vector_store %arg17[%swap3A_773, %swap3A_774, %swap3A_775], %max3A_771 {strides = array<i32>} : memref<2x40x16xf32, #tpu.memory_space<vmem>>, vector<16xf32>,
      }
      %scan3A_614 = arith.constant 40 : i32
      %dma_start3A_615 = arith.constant 1 : i32
      %dma_start3A_616 = arith.constant 1 : i32
      %dma_start3A_617 = arith.constant 0 : i32
      %dma_start3A_618 = arith.constant 0 : i32
      %dma_start3A_619 = tpu.memref_slice %arg14[%dma_start3A_615, %dma_start3A_617, %dma_start3A_618] : memref<2x40x144xf32, #tpu.memory_space<vmem>> -> memref<1x40x144xf32, #tpu.memory_space<vmem>>
      %dma_start3A_620 = tpu.memref_squeeze %dma_start3A_619 : memref<1x40x144xf32, #tpu.memory_space<vmem>> -> memref<40x144xf32, #tpu.memory_space<vmem>>
      %dma_start3A_621 = arith.constant 0 : i32
      %dma_start3A_622 = tpu.memref_slice %arg11[%add3A_437, %dma_start3A_621] : memref<4x40xi32, #tpu.memory_space<vmem>> -> memref<1x40xi32, #tpu.memory_space<vmem>>
      %dma_start3A_623 = tpu.memref_squeeze %dma_start3A_622 : memref<1x40xi32, #tpu.memory_space<vmem>> -> memref<40xi32, #tpu.memory_space<vmem>>
      %dma_start3A_624 = arith.constant 0 : i32
      %dma_start3A_625 = arith.constant 0 : i32
      %dma_start3A_626 = tpu.memref_slice %arg18[%dma_start3A_624, %dma_start3A_625] : memref<10240x144xf32, #tpu.memory_space<vmem_shared>> -> memref<10240x144xf32, #tpu.memory_space<vmem_shared>>
      %dma_start3A_627 = tpu.memref_slice %arg22[%dma_start3A_616] : memref<2x!tpu.dma_semaphore, #tpu.memory_space<semaphore_mem>> -> memref<1x!tpu.dma_semaphore, #tpu.memory_space<semaphore_mem>>
      %dma_start3A_628 = tpu.memref_squeeze %dma_start3A_627 : memref<1x!tpu.dma_semaphore, #tpu.memory_space<semaphore_mem>> -> memref<!tpu.dma_semaphore, #tpu.memory_space<semaphore_mem>>
      tpu.enqueue_indirect_dma source(%dma_start3A_620 : memref<40x144xf32, #tpu.memory_space<vmem>>) target(%dma_start3A_626 : memref<10240x144xf32, #tpu.memory_space<vmem_shared>>) offsets(%dma_start3A_623 : memref<40xi32, #tpu.memory_space<vmem>>) semaphore(%dma_start3A_628 : memref<!tpu.dma_semaphore, #tpu.memory_space<semaphore_mem>>) {add = true}
      %mul3A_629 = arith.constant 40 : i32
      %mul3A_630 = arith.muli %add3A_435, %mul3A_629 : i32
      %add3A_631 = arith.addi %mul3A_2, %mul3A_630 : i32
      %multiple_of3A_632 = tpu.assume_multiple %add3A_631, 8 : i32
      %dma_start3A_633 = arith.constant 1 : i32
      %dma_start3A_634 = arith.constant 1 : i32
      %dma_start3A_635 = arith.constant 0 : i32
      %dma_start3A_636 = arith.constant 0 : i32
      %dma_start3A_637 = tpu.memref_slice %arg17[%dma_start3A_633, %dma_start3A_635, %dma_start3A_636] : memref<2x40x16xf32, #tpu.memory_space<vmem>> -> memref<1x40x16xf32, #tpu.memory_space<vmem>>
      %dma_start3A_638 = tpu.memref_squeeze %dma_start3A_637 : memref<1x40x16xf32, #tpu.memory_space<vmem>> -> memref<40x16xf32, #tpu.memory_space<vmem>>
      %dma_start3A_639 = arith.constant 0 : i32
      %dma_start3A_640 = tpu.memref_slice %arg8[%multiple_of3A_632, %dma_start3A_639] : memref<320000x16xf32, #tpu.memory_space<hbm>> -> memref<40x16xf32, #tpu.memory_space<hbm>>
      %dma_start3A_641 = tpu.memref_slice %arg21[%dma_start3A_634] : memref<2x!tpu.dma_semaphore, #tpu.memory_space<semaphore_mem>> -> memref<1x!tpu.dma_semaphore, #tpu.memory_space<semaphore_mem>>
      %dma_start3A_642 = tpu.memref_squeeze %dma_start3A_641 : memref<1x!tpu.dma_semaphore, #tpu.memory_space<semaphore_mem>> -> memref<!tpu.dma_semaphore, #tpu.memory_space<semaphore_mem>>
      %dma_start3A_643 = arith.constant 0 : i32
      %dma_start3A_644 = tpu.memref_slice %arg8[%multiple_of3A_632, %dma_start3A_643] : memref<320000x16xf32, #tpu.memory_space<hbm>> -> memref<40x16xf32, #tpu.memory_space<hbm>>
      %dma_start3A_645 = arith.constant 0 : i32
      %dma_start3A_646 = arith.constant 0 : i32
      %dma_start3A_647 = tpu.memref_slice %arg17[%dma_start3A_633, %dma_start3A_645, %dma_start3A_646] : memref<2x40x16xf32, #tpu.memory_space<vmem>> -> memref<1x40x16xf32, #tpu.memory_space<vmem>>
      %dma_start3A_648 = tpu.memref_squeeze %dma_start3A_647 : memref<1x40x16xf32, #tpu.memory_space<vmem>> -> memref<40x16xf32, #tpu.memory_space<vmem>>
      tpu.enqueue_dma source(%dma_start3A_648 : memref<40x16xf32, #tpu.memory_space<vmem>>) target(%dma_start3A_644 : memref<40x16xf32, #tpu.memory_space<hbm>>) target_semaphore(%dma_start3A_642 : memref<!tpu.dma_semaphore, #tpu.memory_space<semaphore_mem>>)
    }
    %scan3A_176 = arith.constant 125 : i32
    %dma_wait3A_177 = arith.constant 1 : i32
    %dma_wait3A_178 = arith.constant 1 : i32
    %dma_wait3A_179 = arith.constant 0 : i32
    %dma_wait3A_180 = arith.constant 0 : i32
    %dma_wait3A_181 = tpu.memref_slice %arg17[%dma_wait3A_177, %dma_wait3A_179, %dma_wait3A_180] : memref<2x40x16xf32, #tpu.memory_space<vmem>> -> memref<1x40x16xf32, #tpu.memory_space<vmem>>
    %dma_wait3A_182 = tpu.memref_squeeze %dma_wait3A_181 : memref<1x40x16xf32, #tpu.memory_space<vmem>> -> memref<40x16xf32, #tpu.memory_space<vmem>>
    %dma_wait3A_183 = arith.constant 0 : i32
    %dma_wait3A_184 = arith.constant 0 : i32
    %dma_wait3A_185 = tpu.memref_slice %arg8[%dma_wait3A_183, %dma_wait3A_184] : memref<320000x16xf32, #tpu.memory_space<hbm>> -> memref<40x16xf32, #tpu.memory_space<hbm>>
    %dma_wait3A_186 = tpu.memref_slice %arg21[%dma_wait3A_178] : memref<2x!tpu.dma_semaphore, #tpu.memory_space<semaphore_mem>> -> memref<1x!tpu.dma_semaphore, #tpu.memory_space<semaphore_mem>>
    %dma_wait3A_187 = tpu.memref_squeeze %dma_wait3A_186 : memref<1x!tpu.dma_semaphore, #tpu.memory_space<semaphore_mem>> -> memref<!tpu.dma_semaphore, #tpu.memory_space<semaphore_mem>>
    %dma_wait3A_188 = arith.constant 0 : i32
    %dma_wait3A_189 = arith.constant 0 : i32
    %dma_wait3A_190 = tpu.memref_slice %arg8[%dma_wait3A_188, %dma_wait3A_189] : memref<320000x16xf32, #tpu.memory_space<hbm>> -> memref<40x16xf32, #tpu.memory_space<hbm>>
    %dma_wait3A_191 = arith.constant 0 : i32
    %dma_wait3A_192 = arith.constant 0 : i32
    %dma_wait3A_193 = tpu.memref_slice %arg17[%dma_wait3A_177, %dma_wait3A_191, %dma_wait3A_192] : memref<2x40x16xf32, #tpu.memory_space<vmem>> -> memref<1x40x16xf32, #tpu.memory_space<vmem>>
    %dma_wait3A_194 = tpu.memref_squeeze %dma_wait3A_193 : memref<1x40x16xf32, #tpu.memory_space<vmem>> -> memref<40x16xf32, #tpu.memory_space<vmem>>
    tpu.wait_dma2 semaphore(%dma_wait3A_187 : memref<!tpu.dma_semaphore, #tpu.memory_space<semaphore_mem>>) src(%dma_wait3A_194 : memref<40x16xf32, #tpu.memory_space<vmem>>) dst(%dma_wait3A_190 : memref<40x16xf32, #tpu.memory_space<hbm>>)
    %dma_wait3A_195 = arith.constant 0 : i32
    %dma_wait3A_196 = arith.constant 0 : i32
    %dma_wait3A_197 = arith.constant 0 : i32
    %dma_wait3A_198 = arith.constant 0 : i32
    %dma_wait3A_199 = arith.constant 0 : i32
    %dma_wait3A_200 = tpu.memref_slice %arg14[%dma_wait3A_195, %dma_wait3A_198, %dma_wait3A_199] : memref<2x40x144xf32, #tpu.memory_space<vmem>> -> memref<1x40x144xf32, #tpu.memory_space<vmem>>
    %dma_wait3A_201 = tpu.memref_squeeze %dma_wait3A_200 : memref<1x40x144xf32, #tpu.memory_space<vmem>> -> memref<40x144xf32, #tpu.memory_space<vmem>>
    %dma_wait3A_202 = arith.constant 0 : i32
    %dma_wait3A_203 = tpu.memref_slice %arg11[%dma_wait3A_196, %dma_wait3A_202] : memref<4x40xi32, #tpu.memory_space<vmem>> -> memref<1x40xi32, #tpu.memory_space<vmem>>
    %dma_wait3A_204 = tpu.memref_squeeze %dma_wait3A_203 : memref<1x40xi32, #tpu.memory_space<vmem>> -> memref<40xi32, #tpu.memory_space<vmem>>
    %dma_wait3A_205 = arith.constant 0 : i32
    %dma_wait3A_206 = arith.constant 0 : i32
    %dma_wait3A_207 = tpu.memref_slice %arg18[%dma_wait3A_205, %dma_wait3A_206] : memref<10240x144xf32, #tpu.memory_space<vmem_shared>> -> memref<10240x144xf32, #tpu.memory_space<vmem_shared>>
    %dma_wait3A_208 = tpu.memref_slice %arg22[%dma_wait3A_197] : memref<2x!tpu.dma_semaphore, #tpu.memory_space<semaphore_mem>> -> memref<1x!tpu.dma_semaphore, #tpu.memory_space<semaphore_mem>>
    %dma_wait3A_209 = tpu.memref_squeeze %dma_wait3A_208 : memref<1x!tpu.dma_semaphore, #tpu.memory_space<semaphore_mem>> -> memref<!tpu.dma_semaphore, #tpu.memory_space<semaphore_mem>>
    tpu.wait_indirect_dma semaphore(%dma_wait3A_209 : memref<!tpu.dma_semaphore, #tpu.memory_space<semaphore_mem>>) src(%dma_wait3A_201 : memref<40x144xf32, #tpu.memory_space<vmem>>) dst(%dma_wait3A_207 : memref<10240x144xf32, #tpu.memory_space<vmem_shared>>)
    %dma_wait3A_210 = arith.constant 1 : i32
    %dma_wait3A_211 = arith.constant 1 : i32
    %dma_wait3A_212 = arith.constant 1 : i32
    %dma_wait3A_213 = arith.constant 0 : i32
    %dma_wait3A_214 = arith.constant 0 : i32
    %dma_wait3A_215 = tpu.memref_slice %arg14[%dma_wait3A_210, %dma_wait3A_213, %dma_wait3A_214] : memref<2x40x144xf32, #tpu.memory_space<vmem>> -> memref<1x40x144xf32, #tpu.memory_space<vmem>>
    %dma_wait3A_216 = tpu.memref_squeeze %dma_wait3A_215 : memref<1x40x144xf32, #tpu.memory_space<vmem>> -> memref<40x144xf32, #tpu.memory_space<vmem>>
    %dma_wait3A_217 = arith.constant 0 : i32
    %dma_wait3A_218 = tpu.memref_slice %arg11[%dma_wait3A_211, %dma_wait3A_217] : memref<4x40xi32, #tpu.memory_space<vmem>> -> memref<1x40xi32, #tpu.memory_space<vmem>>
    %dma_wait3A_219 = tpu.memref_squeeze %dma_wait3A_218 : memref<1x40xi32, #tpu.memory_space<vmem>> -> memref<40xi32, #tpu.memory_space<vmem>>
    %dma_wait3A_220 = arith.constant 0 : i32
    %dma_wait3A_221 = arith.constant 0 : i32
    %dma_wait3A_222 = tpu.memref_slice %arg18[%dma_wait3A_220, %dma_wait3A_221] : memref<10240x144xf32, #tpu.memory_space<vmem_shared>> -> memref<10240x144xf32, #tpu.memory_space<vmem_shared>>
    %dma_wait3A_223 = tpu.memref_slice %arg22[%dma_wait3A_212] : memref<2x!tpu.dma_semaphore, #tpu.memory_space<semaphore_mem>> -> memref<1x!tpu.dma_semaphore, #tpu.memory_space<semaphore_mem>>
    %dma_wait3A_224 = tpu.memref_squeeze %dma_wait3A_223 : memref<1x!tpu.dma_semaphore, #tpu.memory_space<semaphore_mem>> -> memref<!tpu.dma_semaphore, #tpu.memory_space<semaphore_mem>>
    tpu.wait_indirect_dma semaphore(%dma_wait3A_224 : memref<!tpu.dma_semaphore, #tpu.memory_space<semaphore_mem>>) src(%dma_wait3A_216 : memref<40x144xf32, #tpu.memory_space<vmem>>) dst(%dma_wait3A_222 : memref<10240x144xf32, #tpu.memory_space<vmem_shared>>)
    %barrier3A_225 = arith.constant 0 : index
    tpu.barrier barrier_id(%barrier3A_225)
    %mul3A_226 = arith.constant 640 : i32
    %mul3A_227 = arith.muli %arg1, %mul3A_226 : i32
    %multiple_of3A_228 = tpu.assume_multiple %mul3A_227, 8 : i32
    "tpu.region"() ({
      %run_scoped3A = tpu.sem_alloc : memref<!tpu.dma_semaphore, #tpu.memory_space<semaphore_mem>>
      %dma_start3A_229 = arith.constant 0 : i32
      %dma_start3A_230 = tpu.memref_slice %arg9[%arg0, %multiple_of3A_228, %dma_start3A_229] : memref<2x10240x144xf32, #tpu.memory_space<hbm>> -> memref<1x640x144xf32, #tpu.memory_space<hbm>>
      %dma_start3A_231 = tpu.memref_squeeze %dma_start3A_230 : memref<1x640x144xf32, #tpu.memory_space<hbm>> -> memref<640x144xf32, #tpu.memory_space<hbm>>
      %dma_start3A_232 = arith.constant 0 : i32
      %dma_start3A_233 = tpu.memref_slice %arg18[%multiple_of3A_228, %dma_start3A_232] : memref<10240x144xf32, #tpu.memory_space<vmem_shared>> -> memref<640x144xf32, #tpu.memory_space<vmem_shared>>
      tpu.enqueue_dma source(%dma_start3A_233 : memref<640x144xf32, #tpu.memory_space<vmem_shared>>) target(%dma_start3A_231 : memref<640x144xf32, #tpu.memory_space<hbm>>) target_semaphore(%run_scoped3A : memref<!tpu.dma_semaphore, #tpu.memory_space<semaphore_mem>>)
      %dma_wait3A_234 = arith.constant 0 : i32
      %dma_wait3A_235 = tpu.memref_slice %arg9[%arg0, %multiple_of3A_228, %dma_wait3A_234] : memref<2x10240x144xf32, #tpu.memory_space<hbm>> -> memref<1x640x144xf32, #tpu.memory_space<hbm>>
      %dma_wait3A_236 = tpu.memref_squeeze %dma_wait3A_235 : memref<1x640x144xf32, #tpu.memory_space<hbm>> -> memref<640x144xf32, #tpu.memory_space<hbm>>
      %dma_wait3A_237 = arith.constant 0 : i32
      %dma_wait3A_238 = tpu.memref_slice %arg18[%multiple_of3A_228, %dma_wait3A_237] : memref<10240x144xf32, #tpu.memory_space<vmem_shared>> -> memref<640x144xf32, #tpu.memory_space<vmem_shared>>
      tpu.wait_dma2 semaphore(%run_scoped3A : memref<!tpu.dma_semaphore, #tpu.memory_space<semaphore_mem>>) src(%dma_wait3A_238 : memref<640x144xf32, #tpu.memory_space<vmem_shared>>) dst(%dma_wait3A_236 : memref<640x144xf32, #tpu.memory_space<hbm>>)
      tpu.yield
    }) : () -> ()
    return
  }
}

module attributes {stable_mosaic.version = 14 : i64} {
  func.func @_node_pre_body(%arg0: memref<10000x128xf32, #tpu.memory_space<vmem>>, %arg1: memref<128x128xf32, #tpu.memory_space<vmem>>, %arg2: memref<1x128xf32, #tpu.memory_space<vmem>>, %arg3: memref<128x16xf32, #tpu.memory_space<vmem>>, %arg4: memref<128x16xf32, #tpu.memory_space<vmem>>, %arg5: memref<10000x64xf32, #tpu.memory_space<vmem>>, %arg6: memref<10000x16xf32, #tpu.memory_space<vmem>>, %arg7: memref<10000x16xf32, #tpu.memory_space<vmem>>) attributes {dimension_semantics = [], scalar_prefetch = 0 : i64, scratch_operands = 0 : i64, tpu.core_type = #tpu.core_type<tc>} {
    %get3A = arith.constant 0 : index
    %get3A_0 = arith.constant 0 : index
    %get3A_1 = vector.load %arg0[%get3A, %get3A_0] : memref<10000x128xf32, #tpu.memory_space<vmem>>, vector<10000x128xf32>
    %get3A_2 = arith.constant 0 : index
    %get3A_3 = arith.constant 0 : index
    %get3A_4 = vector.load %arg1[%get3A_2, %get3A_3] : memref<128x128xf32, #tpu.memory_space<vmem>>, vector<128x128xf32>
    %dot_general3A = arith.constant dense<0.000000e+00> : vector<10000x128xf32>
    %dot_general3A_5 = tpu.matmul %get3A_1, %get3A_4, %dot_general3A {dimension_numbers = #tpu.dot_dimension_numbers<[1], [0], [0], [1], [0, 0, 1, 1], [], []>, transpose_lhs_hint = false} : vector<10000x128xf32>, vector<128x128xf32>, vector<10000x128xf32> -> vector<10000x128xf32>
    %get3A_6 = arith.constant 0 : index
    %get3A_7 = arith.constant 0 : index
    %get3A_8 = vector.load %arg2[%get3A_6, %get3A_7] : memref<1x128xf32, #tpu.memory_space<vmem>>, vector<1x128xf32>
    %add3A = vector.broadcast %get3A_8 : vector<1x128xf32> to vector<10000x128xf32>
    %add3A_9 = arith.addf %dot_general3A_5, %add3A : vector<10000x128xf32>
    %slice3A = vector.extract_strided_slice %add3A_9 {offsets = [0, 0], sizes = [10000, 64], strides = [1, 1]} : vector<10000x128xf32> to vector<10000x64xf32>
    %convert_element_type3A = arith.truncf %slice3A : vector<10000x64xf32> to vector<10000x64xbf16>
    %bitcast_convert_type3A = tpu.bitcast %convert_element_type3A : vector<10000x64xbf16> -> vector<10000x64xi16>
    %convert_element_type3A_10 = arith.extui %bitcast_convert_type3A : vector<10000x64xi16> to vector<10000x64xi32>
    %slice3A_11 = vector.extract_strided_slice %add3A_9 {offsets = [0, 64], sizes = [10000, 64], strides = [1, 1]} : vector<10000x128xf32> to vector<10000x64xf32>
    %convert_element_type3A_12 = arith.truncf %slice3A_11 : vector<10000x64xf32> to vector<10000x64xbf16>
    %bitcast_convert_type3A_13 = tpu.bitcast %convert_element_type3A_12 : vector<10000x64xbf16> -> vector<10000x64xi16>
    %convert_element_type3A_14 = arith.extui %bitcast_convert_type3A_13 : vector<10000x64xi16> to vector<10000x64xi32>
    %shift_left3A = arith.constant 16 : i32
    %shift_left3A_15 = vector.broadcast %shift_left3A : i32 to vector<10000x64xi32>
    %shift_left3A_16 = arith.shli %convert_element_type3A_14, %shift_left3A_15 : vector<10000x64xi32>
    %or3A = arith.ori %shift_left3A_16, %convert_element_type3A_10 : vector<10000x64xi32>
    %bitcast_convert_type3A_17 = tpu.bitcast %or3A : vector<10000x64xi32> -> vector<10000x64xf32>
    %swap3A = arith.constant 0 : index
    %swap3A_18 = arith.constant 0 : index
    %swap3A_19 = vector.load %arg5[%swap3A, %swap3A_18] : memref<10000x64xf32, #tpu.memory_space<vmem>>, vector<10000x64xf32>
    tpu.vector_store %arg5[%swap3A, %swap3A_18], %bitcast_convert_type3A_17 {strides = array<i32>} : memref<10000x64xf32, #tpu.memory_space<vmem>>, vector<10000x64xf32>,
    %get3A_20 = arith.constant 0 : index
    %get3A_21 = arith.constant 0 : index
    %get3A_22 = vector.load %arg3[%get3A_20, %get3A_21] : memref<128x16xf32, #tpu.memory_space<vmem>>, vector<128x16xf32>
    %dot_general3A_23 = arith.constant dense<0.000000e+00> : vector<10000x16xf32>
    %dot_general3A_24 = tpu.matmul %get3A_1, %get3A_22, %dot_general3A_23 {dimension_numbers = #tpu.dot_dimension_numbers<[1], [0], [0], [1], [0, 0, 1, 1], [], []>, transpose_lhs_hint = false} : vector<10000x128xf32>, vector<128x16xf32>, vector<10000x16xf32> -> vector<10000x16xf32>
    %swap3A_25 = arith.constant 0 : index
    %swap3A_26 = arith.constant 0 : index
    %swap3A_27 = vector.load %arg6[%swap3A_25, %swap3A_26] : memref<10000x16xf32, #tpu.memory_space<vmem>>, vector<10000x16xf32>
    tpu.vector_store %arg6[%swap3A_25, %swap3A_26], %dot_general3A_24 {strides = array<i32>} : memref<10000x16xf32, #tpu.memory_space<vmem>>, vector<10000x16xf32>,
    %get3A_28 = arith.constant 0 : index
    %get3A_29 = arith.constant 0 : index
    %get3A_30 = vector.load %arg4[%get3A_28, %get3A_29] : memref<128x16xf32, #tpu.memory_space<vmem>>, vector<128x16xf32>
    %dot_general3A_31 = arith.constant dense<0.000000e+00> : vector<10000x16xf32>
    %dot_general3A_32 = tpu.matmul %get3A_1, %get3A_30, %dot_general3A_31 {dimension_numbers = #tpu.dot_dimension_numbers<[1], [0], [0], [1], [0, 0, 1, 1], [], []>, transpose_lhs_hint = false} : vector<10000x128xf32>, vector<128x16xf32>, vector<10000x16xf32> -> vector<10000x16xf32>
    %swap3A_33 = arith.constant 0 : index
    %swap3A_34 = arith.constant 0 : index
    %swap3A_35 = vector.load %arg7[%swap3A_33, %swap3A_34] : memref<10000x16xf32, #tpu.memory_space<vmem>>, vector<10000x16xf32>
    tpu.vector_store %arg7[%swap3A_33, %swap3A_34], %dot_general3A_32 {strides = array<i32>} : memref<10000x16xf32, #tpu.memory_space<vmem>>, vector<10000x16xf32>,
    return
  }
}

module attributes {stable_mosaic.version = 14 : i64} {
  func.func @_edge_pre_body(%arg0: i32, %arg1: memref<8000x16xf32, #tpu.memory_space<vmem>>, %arg2: memref<16x128xf32, #tpu.memory_space<vmem>>, %arg3: memref<16x16xf32, #tpu.memory_space<vmem>>, %arg4: memref<1x16xf32, #tpu.memory_space<vmem>>, %arg5: memref<8000x80xf32, #tpu.memory_space<vmem>>) attributes {dimension_semantics = [#tpu.dimension_semantics<arbitrary>], iteration_bounds = array<i64: 40>, scalar_prefetch = 0 : i64, scratch_operands = 0 : i64, tpu.core_type = #tpu.core_type<tc>, window_params = [{transform_indices = @transform_0, window_bounds = array<i64: 8000, 16>}, {pipeline_mode = #tpu.pipeline_mode<synchronous>, transform_indices = @transform_1, window_bounds = array<i64: 16, 128>}, {pipeline_mode = #tpu.pipeline_mode<synchronous>, transform_indices = @transform_2, window_bounds = array<i64: 16, 16>}, {pipeline_mode = #tpu.pipeline_mode<synchronous>, transform_indices = @transform_3, window_bounds = array<i64: 1, 16>}, {transform_indices = @transform_4, window_bounds = array<i64: 8000, 80>}]} {
    %get3A = arith.constant 0 : index
    %get3A_0 = arith.constant 0 : index
    %get3A_1 = vector.load %arg1[%get3A, %get3A_0] : memref<8000x16xf32, #tpu.memory_space<vmem>>, vector<8000x16xf32>
    %get3A_2 = arith.constant 0 : index
    %get3A_3 = arith.constant 0 : index
    %get3A_4 = vector.load %arg2[%get3A_2, %get3A_3] : memref<16x128xf32, #tpu.memory_space<vmem>>, vector<16x128xf32>
    %dot_general3A = arith.constant dense<0.000000e+00> : vector<8000x128xf32>
    %dot_general3A_5 = tpu.matmul %get3A_1, %get3A_4, %dot_general3A {dimension_numbers = #tpu.dot_dimension_numbers<[1], [0], [0], [1], [0, 0, 1, 1], [], []>, transpose_lhs_hint = false} : vector<8000x16xf32>, vector<16x128xf32>, vector<8000x128xf32> -> vector<8000x128xf32>
    %get3A_6 = arith.constant 0 : index
    %get3A_7 = arith.constant 0 : index
    %get3A_8 = vector.load %arg3[%get3A_6, %get3A_7] : memref<16x16xf32, #tpu.memory_space<vmem>>, vector<16x16xf32>
    %dot_general3A_9 = arith.constant dense<0.000000e+00> : vector<8000x16xf32>
    %dot_general3A_10 = tpu.matmul %get3A_1, %get3A_8, %dot_general3A_9 {dimension_numbers = #tpu.dot_dimension_numbers<[1], [0], [0], [1], [0, 0, 1, 1], [], []>, transpose_lhs_hint = false} : vector<8000x16xf32>, vector<16x16xf32>, vector<8000x16xf32> -> vector<8000x16xf32>
    %get3A_11 = arith.constant 0 : index
    %get3A_12 = arith.constant 0 : index
    %get3A_13 = vector.load %arg4[%get3A_11, %get3A_12] : memref<1x16xf32, #tpu.memory_space<vmem>>, vector<1x16xf32>
    %add3A = vector.broadcast %get3A_13 : vector<1x16xf32> to vector<8000x16xf32>
    %add3A_14 = arith.addf %dot_general3A_10, %add3A : vector<8000x16xf32>
    %broadcast_in_dim3A = arith.constant 0.000000e+00 : f32
    %broadcast_in_dim3A_15 = vector.broadcast %broadcast_in_dim3A : f32 to vector<8000x16xf32>
    %concatenate3A = tpu.concatenate %add3A_14, %broadcast_in_dim3A_15 in 1 : vector<8000x16xf32>, vector<8000x16xf32> -> vector<8000x32xf32>
    %slice3A = vector.extract_strided_slice %dot_general3A_5 {offsets = [0, 0], sizes = [8000, 64], strides = [1, 1]} : vector<8000x128xf32> to vector<8000x64xf32>
    %convert_element_type3A = arith.truncf %slice3A : vector<8000x64xf32> to vector<8000x64xbf16>
    %bitcast_convert_type3A = tpu.bitcast %convert_element_type3A : vector<8000x64xbf16> -> vector<8000x64xi16>
    %convert_element_type3A_16 = arith.extui %bitcast_convert_type3A : vector<8000x64xi16> to vector<8000x64xi32>
    %slice3A_17 = vector.extract_strided_slice %dot_general3A_5 {offsets = [0, 64], sizes = [8000, 64], strides = [1, 1]} : vector<8000x128xf32> to vector<8000x64xf32>
    %convert_element_type3A_18 = arith.truncf %slice3A_17 : vector<8000x64xf32> to vector<8000x64xbf16>
    %bitcast_convert_type3A_19 = tpu.bitcast %convert_element_type3A_18 : vector<8000x64xbf16> -> vector<8000x64xi16>
    %convert_element_type3A_20 = arith.extui %bitcast_convert_type3A_19 : vector<8000x64xi16> to vector<8000x64xi32>
    %shift_left3A = arith.constant 16 : i32
    %shift_left3A_21 = vector.broadcast %shift_left3A : i32 to vector<8000x64xi32>
    %shift_left3A_22 = arith.shli %convert_element_type3A_20, %shift_left3A_21 : vector<8000x64xi32>
    %or3A = arith.ori %shift_left3A_22, %convert_element_type3A_16 : vector<8000x64xi32>
    %bitcast_convert_type3A_23 = tpu.bitcast %or3A : vector<8000x64xi32> -> vector<8000x64xf32>
    %slice3A_24 = vector.extract_strided_slice %concatenate3A {offsets = [0, 0], sizes = [8000, 16], strides = [1, 1]} : vector<8000x32xf32> to vector<8000x16xf32>
    %convert_element_type3A_25 = arith.truncf %slice3A_24 : vector<8000x16xf32> to vector<8000x16xbf16>
    %bitcast_convert_type3A_26 = tpu.bitcast %convert_element_type3A_25 : vector<8000x16xbf16> -> vector<8000x16xi16>
    %convert_element_type3A_27 = arith.extui %bitcast_convert_type3A_26 : vector<8000x16xi16> to vector<8000x16xi32>
    %slice3A_28 = vector.extract_strided_slice %concatenate3A {offsets = [0, 16], sizes = [8000, 16], strides = [1, 1]} : vector<8000x32xf32> to vector<8000x16xf32>
    %convert_element_type3A_29 = arith.truncf %slice3A_28 : vector<8000x16xf32> to vector<8000x16xbf16>
    %bitcast_convert_type3A_30 = tpu.bitcast %convert_element_type3A_29 : vector<8000x16xbf16> -> vector<8000x16xi16>
    %convert_element_type3A_31 = arith.extui %bitcast_convert_type3A_30 : vector<8000x16xi16> to vector<8000x16xi32>
    %shift_left3A_32 = arith.constant 16 : i32
    %shift_left3A_33 = vector.broadcast %shift_left3A_32 : i32 to vector<8000x16xi32>
    %shift_left3A_34 = arith.shli %convert_element_type3A_31, %shift_left3A_33 : vector<8000x16xi32>
    %or3A_35 = arith.ori %shift_left3A_34, %convert_element_type3A_27 : vector<8000x16xi32>
    %bitcast_convert_type3A_36 = tpu.bitcast %or3A_35 : vector<8000x16xi32> -> vector<8000x16xf32>
    %concatenate3A_37 = tpu.concatenate %bitcast_convert_type3A_23, %bitcast_convert_type3A_36 in 1 : vector<8000x64xf32>, vector<8000x16xf32> -> vector<8000x80xf32>
    %swap3A = arith.constant 0 : index
    %swap3A_38 = arith.constant 0 : index
    %swap3A_39 = vector.load %arg5[%swap3A, %swap3A_38] : memref<8000x80xf32, #tpu.memory_space<vmem>>, vector<8000x80xf32>
    tpu.vector_store %arg5[%swap3A, %swap3A_38], %concatenate3A_37 {strides = array<i32>} : memref<8000x80xf32, #tpu.memory_space<vmem>>, vector<8000x80xf32>,
    return
  }
  func.func @transform_0(%arg0: i32) -> (i32, i32) {
    %c0_i32 = arith.constant 0 : i32
    %c0_i32_0 = arith.constant 0 : i32
    return %arg0, %c0_i32 : i32, i32
  }
  func.func @transform_1(%arg0: i32) -> (i32, i32) {
    %c0_i32 = arith.constant 0 : i32
    %c0_i32_0 = arith.constant 0 : i32
    %c0_i32_1 = arith.constant 0 : i32
    return %c0_i32, %c0_i32_0 : i32, i32
  }
  func.func @transform_2(%arg0: i32) -> (i32, i32) {
    %c0_i32 = arith.constant 0 : i32
    %c0_i32_0 = arith.constant 0 : i32
    %c0_i32_1 = arith.constant 0 : i32
    return %c0_i32, %c0_i32_0 : i32, i32
  }
  func.func @transform_3(%arg0: i32) -> (i32, i32) {
    %c0_i32 = arith.constant 0 : i32
    %c0_i32_0 = arith.constant 0 : i32
    %c0_i32_1 = arith.constant 0 : i32
    return %c0_i32, %c0_i32_0 : i32, i32
  }
  func.func @transform_4(%arg0: i32) -> (i32, i32) {
    %c0_i32 = arith.constant 0 : i32
    %c0_i32_0 = arith.constant 0 : i32
    return %arg0, %c0_i32 : i32, i32
  }
}

module attributes {stable_mosaic.version = 14 : i64} {
  func.func @_finish_body(%arg0: i32, %arg1: memref<2000x128xf32, #tpu.memory_space<vmem>>, %arg2: memref<2000x144xf32, #tpu.memory_space<vmem>>, %arg3: memref<2000x144xf32, #tpu.memory_space<vmem>>, %arg4: memref<256x128xf32, #tpu.memory_space<vmem>>, %arg5: memref<1x128xf32, #tpu.memory_space<vmem>>, %arg6: memref<2000x128xf32, #tpu.memory_space<vmem>>) attributes {dimension_semantics = [#tpu.dimension_semantics<arbitrary>], iteration_bounds = array<i64: 5>, scalar_prefetch = 0 : i64, scratch_operands = 0 : i64, tpu.core_type = #tpu.core_type<tc>, window_params = [{transform_indices = @transform_0, window_bounds = array<i64: 2000, 128>}, {transform_indices = @transform_1, window_bounds = array<i64: 2000, 144>}, {transform_indices = @transform_2, window_bounds = array<i64: 2000, 144>}, {pipeline_mode = #tpu.pipeline_mode<synchronous>, transform_indices = @transform_3, window_bounds = array<i64: 256, 128>}, {pipeline_mode = #tpu.pipeline_mode<synchronous>, transform_indices = @transform_4, window_bounds = array<i64: 1, 128>}, {transform_indices = @transform_5, window_bounds = array<i64: 2000, 128>}]} {
    %get3A = arith.constant 0 : index
    %get3A_0 = arith.constant 0 : index
    %get3A_1 = vector.load %arg2[%get3A, %get3A_0] : memref<2000x144xf32, #tpu.memory_space<vmem>>, vector<2000x144xf32>
    %get3A_2 = arith.constant 0 : index
    %get3A_3 = arith.constant 0 : index
    %get3A_4 = vector.load %arg3[%get3A_2, %get3A_3] : memref<2000x144xf32, #tpu.memory_space<vmem>>, vector<2000x144xf32>
    %add3A = arith.addf %get3A_1, %get3A_4 : vector<2000x144xf32>
    %slice3A = vector.extract_strided_slice %add3A {offsets = [0, 128], sizes = [2000, 1], strides = [1, 1]} : vector<2000x144xf32> to vector<2000x1xf32>
    %slice3A_5 = vector.extract_strided_slice %add3A {offsets = [0, 0], sizes = [2000, 128], strides = [1, 1]} : vector<2000x144xf32> to vector<2000x128xf32>
    %div3A = vector.broadcast %slice3A : vector<2000x1xf32> to vector<2000x128xf32>
    %div3A_6 = arith.divf %slice3A_5, %div3A : vector<2000x128xf32>
    %get3A_7 = arith.constant 0 : index
    %get3A_8 = arith.constant 0 : index
    %get3A_9 = vector.load %arg1[%get3A_7, %get3A_8] : memref<2000x128xf32, #tpu.memory_space<vmem>>, vector<2000x128xf32>
    %concatenate3A = tpu.concatenate %get3A_9, %div3A_6 in 1 : vector<2000x128xf32>, vector<2000x128xf32> -> vector<2000x256xf32>
    %get3A_10 = arith.constant 0 : index
    %get3A_11 = arith.constant 0 : index
    %get3A_12 = vector.load %arg4[%get3A_10, %get3A_11] : memref<256x128xf32, #tpu.memory_space<vmem>>, vector<256x128xf32>
    %dot_general3A = arith.constant dense<0.000000e+00> : vector<2000x128xf32>
    %dot_general3A_13 = tpu.matmul %concatenate3A, %get3A_12, %dot_general3A {dimension_numbers = #tpu.dot_dimension_numbers<[1], [0], [0], [1], [0, 0, 1, 1], [], []>, transpose_lhs_hint = false} : vector<2000x256xf32>, vector<256x128xf32>, vector<2000x128xf32> -> vector<2000x128xf32>
    %get3A_14 = arith.constant 0 : index
    %get3A_15 = arith.constant 0 : index
    %get3A_16 = vector.load %arg5[%get3A_14, %get3A_15] : memref<1x128xf32, #tpu.memory_space<vmem>>, vector<1x128xf32>
    %add3A_17 = vector.broadcast %get3A_16 : vector<1x128xf32> to vector<2000x128xf32>
    %add3A_18 = arith.addf %dot_general3A_13, %add3A_17 : vector<2000x128xf32>
    %max3A = arith.constant 0.000000e+00 : f32
    %max3A_19 = vector.broadcast %max3A : f32 to vector<2000x128xf32>
    %max3A_20 = arith.maximumf %add3A_18, %max3A_19 : vector<2000x128xf32>
    %swap3A = arith.constant 0 : index
    %swap3A_21 = arith.constant 0 : index
    %swap3A_22 = vector.load %arg6[%swap3A, %swap3A_21] : memref<2000x128xf32, #tpu.memory_space<vmem>>, vector<2000x128xf32>
    tpu.vector_store %arg6[%swap3A, %swap3A_21], %max3A_20 {strides = array<i32>} : memref<2000x128xf32, #tpu.memory_space<vmem>>, vector<2000x128xf32>,
    return
  }
  func.func @transform_0(%arg0: i32) -> (i32, i32) {
    %c0_i32 = arith.constant 0 : i32
    %c0_i32_0 = arith.constant 0 : i32
    return %arg0, %c0_i32 : i32, i32
  }
  func.func @transform_1(%arg0: i32) -> (i32, i32) {
    %c0_i32 = arith.constant 0 : i32
    %c0_i32_0 = arith.constant 0 : i32
    return %arg0, %c0_i32 : i32, i32
  }
  func.func @transform_2(%arg0: i32) -> (i32, i32) {
    %c0_i32 = arith.constant 0 : i32
    %c0_i32_0 = arith.constant 0 : i32
    return %arg0, %c0_i32 : i32, i32
  }
  func.func @transform_3(%arg0: i32) -> (i32, i32) {
    %c0_i32 = arith.constant 0 : i32
    %c0_i32_0 = arith.constant 0 : i32
    %c0_i32_1 = arith.constant 0 : i32
    return %c0_i32, %c0_i32_0 : i32, i32
  }
  func.func @transform_4(%arg0: i32) -> (i32, i32) {
    %c0_i32 = arith.constant 0 : i32
    %c0_i32_0 = arith.constant 0 : i32
    %c0_i32_1 = arith.constant 0 : i32
    return %c0_i32, %c0_i32_0 : i32, i32
  }
  func.func @transform_5(%arg0: i32) -> (i32, i32) {
    %c0_i32 = arith.constant 0 : i32
    %c0_i32_0 = arith.constant 0 : i32
    return %arg0, %c0_i32 : i32, i32
  }
}

</mosaic_0001>

<sc_bundles>
// kernel: kernel.6.cloned.1.call-start
scs
__scs_entry_jumppad:
0x0: {  	(pc) =	sbr.rel $0x88, $3  }
0x1: {  	(tag) =	ssettag $0x0;
	lr =	simm.s32 $0x1  }
0x2: {  	[smem:$0x3F98] =	sst lr;
	_ =	strace $0xD0000000  }
0x3: {  	_ = 	snop  }
0x4: {  	_ = 	snop  }
0x5: {  	_ = 	snop  }
0x6: {  	_ = 	snop  }
0x7: {  	_ = 	snop  }
__scs_overlays_trampoline_lowered:
0x8: {  	[smem:$0x3FA7] =	sst s0  }
0x9: {  	[smem:$0x3FA8] =	sst s1  }
0xa: {  	[smem:$0x3FA9] =	sst s2  }
0xb: {  	[smem:$0x3FAA] =	sst s3  }
0xc: {  	[smem:$0x3FAB] =	sst s4  }
0xd: {  	[smem:$0x3FAC] =	sst s5  }
0xe: {  	[smem:$0x3FAD] =	sst s6  }
0xf: {  	[smem:$0x3FAE] =	sst s7  }
0x10: {  	[smem:$0x3FAF] =	sst s8  }
0x11: {  	[smem:$0x3FB0] =	sst s9;
	s0 =	simm.s32 @!p0 $0x0  }
0x12: {  	s1 =	sld [smem:$0x3F96];
	s0 =	simm.s32 @p0 $0x1  }
0x13: {  	[smem:$0x3FB1] =	sst s0;
	s0 =	simm.s32 @!p1 $0x0  }
0x14: {  	s2 =	sld [smem:$0x3F95];
	s0 =	simm.s32 @p1 $0x1  }
0x15: {  	[smem:$0x3FB2] =	sst s0;
	s0 =	simm.s32 @!p2 $0x0  }
0x16: {  	s3 =	sld [smem:$0x3FDB];
	s0 =	simm.s32 @p2 $0x1  }
0x17: {  	s4 =	simm.s32 $0x1BF5;
	[smem:$0x3FB4] =	sst s0  }
0x18: {  	s0 =	sld [smem:$0x3F97];
	_ =	swait.ge [sflag:s4], $0x0  }
0x19: {  	s7 =	sld [smem:$0x3F98]  }
0x1a: {  	s8 =	sadd.s32 $0xFFFFE003, lr  }
0x1b: {  	s9 =	sadd.s32 $0xFFFFFEF7, lr;
	s5 =	simm.s32 $0xFFFFFFFF;
	p2 =	slt.u32 s8, $0xFFFFF086  }
0x1c: {  	p1 =	slt.u32 s9, $0xF7A;
	s5 =	simm.s32 @!p2 $0x0  }
0x1d: {  	s5 =	simm.s32 @p1 $0x1;
	p0 =	seq.s32 s7, s2  }
0x1e: {  	s7 =	smul.u32 @!p0 $0xF7A, s2;
	p2 =	seq.s32 @!p0 s5, $0x0  }
0x1f: {  	s9 =	smul.u32 $0xF7A, s1;
	s8 =	simm.s32 @!p0 $0x1BF5;
	p2 =	por !p2, p0  }
0x20: {  	[sflag:s8] =	ssyncset.s32 @!p0 $0xFFFFF086;
	s6 =	sadd.s32 @!p0 s3, s7;
	s7 =	simm.s32 @!p0 $0x108  }
0x21: {  	s3 =	sadd.s32 s3, s9;
	s6 =	sadd.s32 @!p0 $0x88, s6;
	s7 =	simm.s32 @p2 $0x1082  }
0x22: {  	[simem:s7], [sflag:s8] =	dma.local @!p0 [hbm:s6], $0xF7A  }
0x23: {  	s9 =	sor.u32 $0xD0000000, s2;
	s6 =	simm.s32 $0x108;
	_ =	swait.ge @!p0 [sflag:s8], $0x0  }
0x24: {  	s3 =	sadd.s32 $0x88, s3;
	s6 =	simm.s32 @!p1 $0x1082;
	[sflag:s4] =	ssyncset.s32 $0xFFFFF086  }
0x25: {  	[simem:s6], [sflag:s4] =	dma.local [hbm:s3], $0xF7A  }
0x26: {  	[smem:$0x3F98] =	sst s1;
	(tag) =	ssettag s2;
	_ =	strace s9  }
0x27: {  	s1 =	sld [smem:$0x3FA8]  }
0x28: {  	s2 =	sld [smem:$0x3FA9]  }
0x29: {  	s4 =	sld [smem:$0x3FAB]  }
0x2a: {  	p0 =	seq.s32 s5, $0x0;
	s5 =	sld [smem:$0x3FAC]  }
0x2b: {  	s6 =	sld [smem:$0x3FAD]  }
0x2c: {  	s7 =	sld [smem:$0x3FAE]  }
0x2d: {  	s3 =	simm.s32 $0x108;
	s8 =	sld [smem:$0x3FAF]  }
0x2e: {  	s3 =	simm.s32 @!p0 $0x1082;
	s9 =	sld [smem:$0x3FB0]  }
0x2f: {  	lr =	sadd.s32 s0, s3;
	s0 =	sld [smem:$0x3FA7]  }
0x30: {  	s3 =	sld [smem:$0x3FAA]  }
0x31: {  	[smem:$0x3FB3] =	sst s10  }
0x32: {  	s10 =	sld [smem:$0x3FB1];
	_ =	sdelay $0x3  }
0x33: {  	p0 =	seq.s32 s10, $0x1;
	s10 =	sld [smem:$0x3FB3];
	_ =	sdelay $0x3  }
0x34: {  	[smem:$0x3FB3] =	sst s10  }
0x35: {  	s10 =	sld [smem:$0x3FB2];
	_ =	sdelay $0x3  }
0x36: {  	p1 =	seq.s32 s10, $0x1;
	s10 =	sld [smem:$0x3FB3];
	_ =	sdelay $0x3  }
0x37: {  	[smem:$0x3FB3] =	sst s10  }
0x38: {  	s10 =	sld [smem:$0x3FB4]  }
0x39: {  	_ = 	snop;
	(pc) =	sbr.ind lr, $3  }
0x3a: {  	_ = 	snop  }
0x3b: {  	_ = 	snop  }
0x3c: {  	p2 =	seq.s32 s10, $0x1;
	s10 =	sld [smem:$0x3FB3]  }
0x3d: {  	_ =	shalt  }
0x3e: {  	_ =	shalt  }
0x3f: {  	_ =	shalt  }
0x40: {  	_ =	shalt  }
0x41: {  	_ =	shalt  }
0x42: {  	_ =	shalt  }
0x43: {  	_ =	shalt  }
0x44: {  	_ =	shalt  }
0x45: {  	_ =	shalt  }
0x46: {  	_ =	shalt  }
0x47: {  	_ =	shalt  }
0x48: {  	_ =	shalt  }
0x49: {  	_ =	shalt  }
0x4a: {  	_ =	shalt  }
0x4b: {  	_ =	shalt  }
0x4c: {  	_ =	shalt  }
0x4d: {  	_ =	shalt  }
0x4e: {  	_ =	shalt  }
0x4f: {  	_ =	shalt  }
0x50: {  	_ =	shalt  }
0x51: {  	_ =	shalt  }
0x52: {  	_ =	shalt  }
0x53: {  	_ =	shalt  }
0x54: {  	_ =	shalt  }
0x55: {  	_ =	shalt  }
0x56: {  	_ =	shalt  }
0x57: {  	_ =	shalt  }
0x58: {  	_ =	shalt  }
0x59: {  	_ =	shalt  }
0x5a: {  	_ =	shalt  }
0x5b: {  	_ =	shalt  }
0x5c: {  	_ =	shalt  }
0x5d: {  	_ =	shalt  }
0x5e: {  	_ =	shalt  }
0x5f: {  	_ =	shalt  }
0x60: {  	_ =	shalt  }
0x61: {  	_ =	shalt  }
0x62: {  	_ =	shalt  }
0x63: {  	_ =	shalt  }
0x64: {  	_ =	shalt  }
0x65: {  	_ =	shalt  }
0x66: {  	_ =	shalt  }
0x67: {  	_ =	shalt  }
0x68: {  	_ =	shalt  }
0x69: {  	_ =	shalt  }
0x6a: {  	_ =	shalt  }
0x6b: {  	_ =	shalt  }
0x6c: {  	_ =	shalt  }
0x6d: {  	_ =	shalt  }
0x6e: {  	_ =	shalt  }
0x6f: {  	_ =	shalt  }
0x70: {  	_ =	shalt  }
0x71: {  	_ =	shalt  }
0x72: {  	_ =	shalt  }
0x73: {  	_ =	shalt  }
0x74: {  	_ =	shalt  }
0x75: {  	_ =	shalt  }
0x76: {  	_ =	shalt  }
0x77: {  	_ =	shalt  }
0x78: {  	_ =	shalt  }
0x79: {  	_ =	shalt  }
0x7a: {  	_ =	shalt  }
0x7b: {  	_ =	shalt  }
0x7c: {  	_ =	shalt  }
0x7d: {  	_ =	shalt  }
0x7e: {  	_ =	shalt  }
0x7f: {  	_ =	shalt  }
0x80: {  	_ =	shalt  }
0x81: {  	_ =	shalt  }
0x82: {  	_ =	shalt  }
0x83: {  	_ =	shalt  }
0x84: {  	_ =	shalt  }
0x85: {  	_ =	shalt  }
0x86: {  	_ =	shalt  }
0x87: {  	_ =	shalt  }
.Lfunc_end0:
.L_simem_size_0:
called_computation_lowered:
.L_overlay_start_0:
0x88: {  	s2 =	sld [smem:$0x3FD9]  }
0x89: {  	s3 =	sld [smem:$0x3FFE];
	_ =	sdelay $0x1  }
0x8a: {  	s1 =	srdreg.scid  }
0x8b: {  	s0 =	sand.u32 $0x1, s1  }
0x8c: {  	s14 =	sshll.u32 s0, $0xA;
	s2 =	sadd.s32 s3, s2  }
0x8d: {  	s2 =	sadd.s32 s2, s14  }
0x8e: {  	[smem:$0x3FBF] =	sst s2  }
0x8f: {  	_ = 	snop  }
0x90: {  	s2 =	sld [smem:$0x3FD0];
	_ =	sdelay $0x2  }
0x91: {  	s15 =	simm.s32 $0xA;
	s4 =	simm.s32 $0x10  }
0x92: {  	[smem:s4], [sflag:s15] =	dma.local [hbm:s2], $0x1  }
0x93: {  	_ =	swait.eq [sflag:s15], $0x1  }
0x94: {  	[sflag:s15] =	ssyncset.done $0x0  }
0x95: {  	s16 =	sld [smem:$0x10];
	[sflag:s15] =	ssyncadd.s32 $0xFFFFFFFF  }
0x96: {  	s17 =	sld [smem:$0x11];
	(tm) =	ssettm $0x1  }
0x97: {  	s18 =	sld [smem:$0x3FFB];
	_ =	sdelay $0x3  }
0x98: {  	_ =	strace s18  }
0x99: {  	s4 =	sld [smem:$0x3FFC];
	_ =	sdelay $0x3  }
0x9a: {  	_ =	strace s4  }
0x9b: {  	s4 =	sld [smem:$0x3FFD];
	_ =	sdelay $0x3  }
0x9c: {  	_ =	strace s4  }
0x9d: {  	_ =	strace $0x8FFFFFFF  }
0x9e: {  	s19 =	sld [smem:$0x3FDB];
	_ =	sdelay $0x1  }
0x9f: {  	s5 =	simm.s32 $_scs_section_size  }
0xa0: {  	s6 =	simm.s32 $_size__tile_overlayer_lowered;
	s7 =	simm.s32 $_tile_overlayer_lowered  }
0xa1: {  	s22 =	simm.s32 $0x1BFF;
	s21 =	sshll.u32 s7, $0x1;
	s4 =	sadd.s32 s5, s19  }
0xa2: {  	s8 =	simm.s32 $0x0;
	s20 =	sshll.u32 s6, $0x1;
	s6 =	sadd.s32 s21, s4  }
0xa3: {  	[timem:s8], [sflag:s22] =	dma.local [hbm:s6], s20  }
0xa4: {  	_ =	swait.ge [sflag:s22], s20  }
0xa5: {  	s5 =	ssub.s32 $0x0, s20;
	[sflag:s22] =	ssyncset.done $0x0  }
0xa6: {  	[sflag:s22] =	ssyncadd.s32 s5;
	_ =	sdelay $0x1  }
0xa7: {  	s23 =	simm.s32 $0x1B8B  }
0xa8: {  	_ =	swait.ge [sflag:s23], $0x1  }
0xa9: {  	[sflag:s23] =	ssyncset.done $0x0  }
0xaa: {  	s25 =	simm.s32 $0x1B8E;
	s24 =	sld [smem:$0x3FFE];
	[sflag:s23] =	ssyncadd.s32 $0xFFFFFFFF  }
0xab: {  	s26 =	simm.s32 $execute0_lowered;
	[smem:$0x3FD2] =	sst s25  }
0xac: {  	s6 =	sshll.u32 s26, $0x1;
	_ =	strace $0x80000046;
	[dreg:$0x1] =	wrdreg $0xFFFFFFFF  }
0xad: {  	s28 =	simm.s32 $_size_execute0_lowered;
	s4 =	sadd.s32 s4, s6;
	[dreg:$0x0] =	wrdreg $0x0  }
0xae: {  	s6 =	sshll.u32 s28, $0x1;
	[dreg:$0x2] =	wrdreg s4  }
0xaf: {  	[dreg:$0x3] =	wrdreg s6  }
0xb0: {  	[dreg:$0x4] =	wrdreg $0xC0  }
0xb1: {  	_ =	task [dreg:s8], $0x5FFFF  }
0xb2: {  	[dreg:$0x1] =	wrdreg $0xFFFFFFFF  }
0xb3: {  	[dreg:$0x0] =	wrdreg $0x60  }
0xb4: {  	[dreg:$0x2] =	wrdreg s24  }
0xb5: {  	[dreg:$0x3] =	wrdreg s16  }
0xb6: {  	[dreg:$0x4] =	wrdreg s17  }
0xb7: {  	[dreg:$0x5] =	wrdreg $0x69F00  }
0xb8: {  	[dreg:$0x6] =	wrdreg $0x9  }
0xb9: {  	_ =	task.clear_ibuf [dreg:s8], $0x7FFFF;
	_ =	strace $0x90000046  }
0xba: {  	s29 =	simm.s32 $0x9;
	_ =	strace $0x80000048  }
0xbb: {  	_ =	swait.ge [sflag:s29], $0x1  }
0xbc: {  	[sflag:s29] =	ssyncadd.s32 $0xFFFFFFFF  }
0xbd: {  	_ =	strace $0x90000048  }
0xbe: {  	_ =	sfence  }
0xbf: {  	s30 =	sld [smem:$0x0];
	_ =	sdelay $0x2  }
0xc0: {  	s31 =	sshll.u32 s1, $0xD;
	s1 =	sshrl.u32 s1, $0x2  }
0xc1: {  	s3 =	sand.u32 $0x4000, s31;
	s1 =	sadd.s32 s1, s30  }
0xc2: {  	s0 =	sor.u32 s3, s0;
	s1 =	sshll.u32 s1, $0x11  }
0xc3: {  	s0 =	sor.u32 s1, s0  }
0xc4: {  	s0 =	sadd.s32 $0x8F2B, s0  }
0xc5: {  	[sflag:s0] =	ssyncadd.remote.s32 $0x1  }
0xc6: {  	_ =	sfence.sel $0xFFFF  }
0xc7: {  	[dreg:$0x0] =	wrdreg $0xFFFFFFFF;
	(pc) =	sbr.abs _section_cstart, $3  }
0xc8: {  	[dreg:$0x1] =	wrdreg $0xFFFFFFFF  }
0xc9: {  	_ =	task.clear_ibuf [dreg:s8], $0x2FFFF;
	_ =	strace $0x9FFFFFFF  }
0xca: {  	(tm) =	ssettm $0x7FFFFFFF  }
0xcb: {  	_ =	shalt  }
tec
execute0_lowered:
.L_overlay_start_1:
0x0: {  	(tag) =	ssettag $0x1  }
0x1: {  	s0 =	rddreg [dreg:$0x0]  }
0x2: {  	s22 =	rddreg [dreg:$0x1]  }
0x3: {  	s21 =	rddreg [dreg:$0x2]  }
0x4: {  	s1 =	rddreg [dreg:$0x3];
	s15 =	stileid.u32  }
0x5: {  	s4 =	simm.s32 $0x0;
	s2 =	srdreg.scid;
	s5 =	smul.u32 $0x16800, s15  }
0x6: {  	s2 =	sand.u32 $0x1, s2;
	s10 =	sshll.u32 s15, $0x1;
	s15 =	smul.u32 $0x5A000, s15  }
0x7: {  	s3 =	smul.u32 $0x168000, s2;
	s12 =	ssub.s32 $0x2, s2;
	s2 =	sor.u32 s2, s10  }
0x8: {  	[smem:$0x7FF] =	sst s4;
	s8 =	sadd.s32 $0x1F400, s0;
	s10 =	smul.u32 $0x2710, s2  }
0x9: {  	s18 =	smov.u32 s1;
	s2 =	smul.u32 $0x186A0, s2;
	s31 =	sshrl.u32 s15, $0x2  }
0xa: {  	s3 =	sadd.s32 s5, s3;
	s5 =	sadd.s32 s5, s1;
	s1 =	sadd.s32 s31, s1  }
0xb: {  	_ =	strace $0x80000047;
	s24 =	sadd.s32 $0x28, s10;
	[dreg:$0xd] =	wrdreg s1  }
0xc: {  	s13 =	sshrl.u32 s12, $0x1;
	s2 =	sadd.s32 s8, s2;
	[dreg:$0x5] =	wrdreg s24  }
0xd: {  	s20 =	ssub.s32 s12, s13;
	s30 =	sadd.s32 $0x78, s10;
	[dreg:$0x8] =	wrdreg s2  }
0xe: {  	s12 =	smax.u32 s20, $0x1;
	[dreg:$0xb] =	wrdreg s30  }
0xf: {  	s13 =	sadd.s32 $0x1680, s1;
	[dreg:$0xe] =	wrdreg s12  }
0x10: {  	s15 =	sadd.s32 $0x4380, s1;
	[dreg:$0xf] =	wrdreg s13  }
0x11: {  	s16 =	sadd.s32 $0x5A00, s1;
	[dreg:$0x11] =	wrdreg s15  }
0x12: {  	s17 =	sadd.s32 $0x7080, s1;
	[dreg:$0x13] =	wrdreg s16  }
0x13: {  	s19 =	sadd.s32 $0x8700, s1;
	[dreg:$0x14] =	wrdreg s17  }
0x14: {  	s6 =	sadd.s32 $0xB600, s0;
	s20 =	sadd.s32 $0x9D80, s1;
	[dreg:$0x15] =	wrdreg s19  }
0x15: {  	s23 =	sshrl.u32 s10, $0x3;
	s31 =	sadd.s32 $0x15180, s1;
	[dreg:$0x16] =	wrdreg s20  }
0x16: {  	s7 =	sadd.s32 $0x1800, s0;
	s14 =	sadd.s32 s6, s23;
	[dreg:$0x1e] =	wrdreg s31  }
0x17: {  	s26 =	sadd.s32 s7, s23;
	[dreg:$0x6] =	wrdreg s14  }
0x18: {  	s9 =	sadd.s32 $0x15400, s0;
	s23 =	sadd.s32 $0xB400, s1;
	[dreg:$0x7] =	wrdreg s26  }
0x19: {  	s25 =	sshrl.u32 s24, $0x3;
	s24 =	sadd.s32 $0xCA80, s1;
	[dreg:$0x17] =	wrdreg s23  }
0x1a: {  	s11 =	sadd.s32 $0x1A400, s0;
	s30 =	sadd.s32 $0x13B00, s1;
	[dreg:$0x18] =	wrdreg s24  }
0x1b: {  	s3 =	sshrl.u32 s3, $0x3;
	s28 =	sadd.s32 s6, s25;
	[dreg:$0x1d] =	wrdreg s30  }
0x1c: {  	s0 =	sadd.s32 s3, s0;
	s29 =	sadd.s32 s7, s25;
	[dreg:$0x9] =	wrdreg s28  }
0x1d: {  	s12 =	simm.s32 $0x9;
	s0 =	sadd.s32 $0x32C800, s0;
	[dreg:$0xa] =	wrdreg s29  }
0x1e: {  	s2 =	simm.s32 $0x0;
	s14 =	sadd.s32 $0x2D00, s1;
	[dreg:$0xc] =	wrdreg s0  }
0x1f: {  	s15 =	simm.s32 $0x0;
	s25 =	sadd.s32 $0xE100, s1;
	[dreg:$0x10] =	wrdreg s14  }
0x20: {  	s26 =	sadd.s32 $0xF780, s1;
	s23 =	simm.s32 $0x1;
	[dreg:$0x19] =	wrdreg s25  }
0x21: {  	s24 =	simm.s32 $0x28;
	s0 =	sshrl.u32 s5, $0x3;
	[dreg:$0x1a] =	wrdreg s26  }
0x22: {  	s28 =	sadd.s32 $0x10E00, s1;
	s29 =	sadd.s32 $0x12480, s1;
	[dreg:$0x12] =	wrdreg s0  }
0x23: {  	v0 =	vimm.f32 $0.0e+00;
	vm0 =	vcmask $0x300;
	s25 =	simm.s32 $0x2;
	s26 =	simm.s32 $0x3;
	[dreg:$0x1b] =	wrdreg s28  }
0x24: {  	v2 =	vimm.bf16 $0.0e+00;
	v1 =	vsel vm0, $0x3F800000, v0;
	s5 =	simm.s32 $0x4;
	[dreg:$0x1c] =	wrdreg s29;
	s0 =	simm.s32 $0x5  }
.LBB2_1:
0x25: {  	[dreg:$0x1f] =	wrdreg s2;
	s2 =	simm.s32 $0x0;
	s3 =	simm.s32 $0x240  }
.LBB2_2:
0x26: {  	p0 =	sne.s32 s3, $0x57C0;
	[tilespmem:s2+$0x2E70] =	vst v0  }
0x27: {  	[tilespmem:s2+$0x2DF0] =	vst v0  }
0x28: {  	[tilespmem:s2+$0x2E00] =	vst v0  }
0x29: {  	[tilespmem:s2+$0x2E10] =	vst v0  }
.Ltmp0:
0x2a: {  	[tilespmem:s2+$0x2E20] =	vst v0;
	(pc) =	sbr.rel @p0 .LBB2_2-.Ltmp0, $4  }
0x2b: {  	[tilespmem:s2+$0x2E30] =	vst v0  }
0x2c: {  	[tilespmem:s2+$0x2E40] =	vst v0  }
0x2d: {  	[tilespmem:s2+$0x2E50] =	vst v0  }
0x2e: {  	[tilespmem:s2+$0x2E60] =	vst v0;
	s2 =	sshra.s32 s3, $0x2;
	s3 =	sadd.s32 $0x240, s3  }
0x2f: {  	[tilespmem:s2+$0x2E70] =	vst v0  }
0x30: {  	[tilespmem:s2+$0x2DF0] =	vst v0  }
0x31: {  	[tilespmem:s2+$0x2E00] =	vst v0  }
0x32: {  	[tilespmem:s2+$0x2E10] =	vst v0  }
0x33: {  	[tilespmem:s2+$0x2E20] =	vst v0  }
0x34: {  	[tilespmem:s2+$0x2E30] =	vst v0  }
0x35: {  	[tilespmem:s2+$0x2E40] =	vst v0  }
0x36: {  	[tilespmem:s2+$0x2E50] =	vst v0  }
0x37: {  	[tilespmem:s2+$0x2E60] =	vst v0;
	s1 =	rddreg [dreg:$0xd];
	s2 =	simm.s32 $0x2DF0  }
0x38: {  	[spmem:s1] =	stream.linear.scatter [tilespmem:s2], [sflag:$0x9], $0x1680, $0x38;
	[tilespmem:$0x1D1F0] =	vst v63  }
0x39: {  	_ =	swait.ge [sflag:s12], $0x1680  }
0x3a: {  	[sflag:s12] =	ssyncset.done $0x0  }
0x3b: {  	s28 =	rddreg [dreg:$0xf];
	[sflag:s12] =	ssyncadd.s32 $0xFFFFE980  }
0x3c: {  	[spmem:s28] =	stream.linear.scatter [tilespmem:s2], [sflag:$0x9], $0x1680, $0x38;
	[tilespmem:$0x1D1F0] =	vst v63  }
0x3d: {  	_ =	swait.ge [sflag:s12], $0x1680  }
0x3e: {  	[sflag:s12] =	ssyncset.done $0x0  }
0x3f: {  	s29 =	rddreg [dreg:$0x10];
	[sflag:s12] =	ssyncadd.s32 $0xFFFFE980  }
0x40: {  	[spmem:s29] =	stream.linear.scatter [tilespmem:s2], [sflag:$0x9], $0x1680, $0x38;
	[tilespmem:$0x1D1F0] =	vst v63  }
0x41: {  	_ =	swait.ge [sflag:s12], $0x1680  }
0x42: {  	[sflag:s12] =	ssyncset.done $0x0  }
0x43: {  	s30 =	rddreg [dreg:$0x11];
	[sflag:s12] =	ssyncadd.s32 $0xFFFFE980  }
0x44: {  	[spmem:s30] =	stream.linear.scatter [tilespmem:s2], [sflag:$0x9], $0x1680, $0x38;
	[tilespmem:$0x1D1F0] =	vst v63  }
0x45: {  	_ =	swait.ge [sflag:s12], $0x1680  }
0x46: {  	[sflag:s12] =	ssyncset.done $0x0  }
0x47: {  	s31 =	rddreg [dreg:$0x13];
	[sflag:s12] =	ssyncadd.s32 $0xFFFFE980  }
0x48: {  	[spmem:s31] =	stream.linear.scatter [tilespmem:s2], [sflag:$0x9], $0x1680, $0x38;
	[tilespmem:$0x1D1F0] =	vst v63  }
0x49: {  	_ =	swait.ge [sflag:s12], $0x1680  }
0x4a: {  	[sflag:s12] =	ssyncset.done $0x0  }
0x4b: {  	s3 =	rddreg [dreg:$0x14];
	[sflag:s12] =	ssyncadd.s32 $0xFFFFE980  }
0x4c: {  	[spmem:s3] =	stream.linear.scatter [tilespmem:s2], [sflag:$0x9], $0x1680, $0x38;
	[tilespmem:$0x1D1F0] =	vst v63  }
0x4d: {  	_ =	swait.ge [sflag:s12], $0x1680  }
0x4e: {  	[sflag:s12] =	ssyncset.done $0x0  }
0x4f: {  	s13 =	rddreg [dreg:$0x15];
	[sflag:s12] =	ssyncadd.s32 $0xFFFFE980  }
0x50: {  	[spmem:s13] =	stream.linear.scatter [tilespmem:s2], [sflag:$0x9], $0x1680, $0x38;
	[tilespmem:$0x1D1F0] =	vst v63  }
0x51: {  	_ =	swait.ge [sflag:s12], $0x1680  }
0x52: {  	[sflag:s12] =	ssyncset.done $0x0  }
0x53: {  	s14 =	rddreg [dreg:$0x16];
	[sflag:s12] =	ssyncadd.s32 $0xFFFFE980  }
0x54: {  	[spmem:s14] =	stream.linear.scatter [tilespmem:s2], [sflag:$0x9], $0x1680, $0x38;
	[tilespmem:$0x1D1F0] =	vst v63  }
0x55: {  	_ =	swait.ge [sflag:s12], $0x1680  }
0x56: {  	[sflag:s12] =	ssyncset.done $0x0  }
0x57: {  	s16 =	rddreg [dreg:$0x17];
	[sflag:s12] =	ssyncadd.s32 $0xFFFFE980  }
0x58: {  	[spmem:s16] =	stream.linear.scatter [tilespmem:s2], [sflag:$0x9], $0x1680, $0x38;
	[tilespmem:$0x1D1F0] =	vst v63  }
0x59: {  	_ =	swait.ge [sflag:s12], $0x1680  }
0x5a: {  	[sflag:s12] =	ssyncset.done $0x0  }
0x5b: {  	s17 =	rddreg [dreg:$0x18];
	[sflag:s12] =	ssyncadd.s32 $0xFFFFE980  }
0x5c: {  	[spmem:s17] =	stream.linear.scatter [tilespmem:s2], [sflag:$0x9], $0x1680, $0x38;
	[tilespmem:$0x1D1F0] =	vst v63  }
0x5d: {  	_ =	swait.ge [sflag:s12], $0x1680  }
0x5e: {  	[sflag:s12] =	ssyncset.done $0x0  }
0x5f: {  	s19 =	rddreg [dreg:$0x19];
	[sflag:s12] =	ssyncadd.s32 $0xFFFFE980  }
0x60: {  	[spmem:s19] =	stream.linear.scatter [tilespmem:s2], [sflag:$0x9], $0x1680, $0x38;
	[tilespmem:$0x1D1F0] =	vst v63  }
0x61: {  	_ =	swait.ge [sflag:s12], $0x1680  }
0x62: {  	[sflag:s12] =	ssyncset.done $0x0  }
0x63: {  	s20 =	rddreg [dreg:$0x1a];
	[sflag:s12] =	ssyncadd.s32 $0xFFFFE980  }
0x64: {  	[spmem:s20] =	stream.linear.scatter [tilespmem:s2], [sflag:$0x9], $0x1680, $0x38;
	[tilespmem:$0x1D1F0] =	vst v63  }
0x65: {  	_ =	swait.ge [sflag:s12], $0x1680  }
0x66: {  	[sflag:s12] =	ssyncset.done $0x0  }
0x67: {  	s28 =	rddreg [dreg:$0x1b];
	[sflag:s12] =	ssyncadd.s32 $0xFFFFE980  }
0x68: {  	[spmem:s28] =	stream.linear.scatter [tilespmem:s2], [sflag:$0x9], $0x1680, $0x38;
	[tilespmem:$0x1D1F0] =	vst v63  }
0x69: {  	_ =	swait.ge [sflag:s12], $0x1680  }
0x6a: {  	[sflag:s12] =	ssyncset.done $0x0  }
0x6b: {  	s29 =	rddreg [dreg:$0x1c];
	[sflag:s12] =	ssyncadd.s32 $0xFFFFE980  }
0x6c: {  	[spmem:s29] =	stream.linear.scatter [tilespmem:s2], [sflag:$0x9], $0x1680, $0x38;
	[tilespmem:$0x1D1F0] =	vst v63  }
0x6d: {  	_ =	swait.ge [sflag:s12], $0x1680  }
0x6e: {  	[sflag:s12] =	ssyncset.done $0x0  }
0x6f: {  	s30 =	rddreg [dreg:$0x1d];
	[sflag:s12] =	ssyncadd.s32 $0xFFFFE980  }
0x70: {  	[spmem:s30] =	stream.linear.scatter [tilespmem:s2], [sflag:$0x9], $0x1680, $0x38;
	[tilespmem:$0x1D1F0] =	vst v63  }
0x71: {  	_ =	swait.ge [sflag:s12], $0x1680  }
0x72: {  	[sflag:s12] =	ssyncset.done $0x0  }
0x73: {  	s31 =	rddreg [dreg:$0x1e];
	[sflag:s12] =	ssyncadd.s32 $0xFFFFE980  }
0x74: {  	[spmem:s31] =	stream.linear.scatter [tilespmem:s2], [sflag:$0x9], $0x1680, $0x38;
	[tilespmem:$0x1D1F0] =	vst v63  }
0x75: {  	_ =	swait.ge [sflag:s12], $0x1680  }
0x76: {  	[sflag:s12] =	ssyncset.done $0x0  }
0x77: {  	s3 =	simm.s32 $0x0;
	s2 =	simm.s32 $0x240;
	[sflag:s12] =	ssyncadd.s32 $0xFFFFE980  }
.LBB2_4:
0x78: {  	p0 =	sne.s32 s2, $0x57C0;
	[tilespmem:s3+$0x2E70] =	vst v1;
	s13 =	smov.u32 s2;
	s2 =	sadd.s32 $0x240, s2  }
.Ltmp1:
0x79: {  	[tilespmem:s3+$0x44F0] =	vst v1;
	(pc) =	sbr.rel @p0 .LBB2_4-.Ltmp1, $2  }
0x7a: {  	_ =	sdelay $0x2  }
0x7b: {  	s3 =	sshra.s32 s13, $0x2  }
0x7c: {  	[tilespmem:s3+$0x2E70] =	vst v1  }
0x7d: {  	[tilespmem:s3+$0x44F0] =	vst v1  }
0x7e: {  	[bflag:$0x0] =	sbarrier.arrive $0xFFFF  }
0x7f: {  	s1 =	rddreg [dreg:$0x6]  }
0x80: {  	[tilespmem:s15], [sflag:$0x1] =	stream.linear.gather [hbm4b:s1+s15], $0x28, $0x38;
	[tilespmem:$0x1D1F0] =	vst v63  }
0x81: {  	s2 =	simm.s32 $0x50;
	s14 =	rddreg [dreg:$0x7]  }
0x82: {  	[tilespmem:s2], [sflag:$0x1] =	stream.linear.gather [hbm4b:s14+s15], $0x28, $0x38;
	[tilespmem:$0x1D1F0] =	vst v63  }
0x83: {  	_ =	swait.ge [sflag:s23], $0x28  }
0x84: {  	[sflag:s23] =	ssyncset.done $0x0  }
0x85: {  	[sflag:s23] =	ssyncadd.s32 $0xFFFFFFD8  }
0x86: {  	_ =	swait.ge [sflag:s23], $0x28  }
0x87: {  	[sflag:s23] =	ssyncset.done $0x0  }
0x88: {  	s16 =	simm.s32 $0xF0;
	[sflag:s23] =	ssyncadd.s32 $0xFFFFFFD8  }
0x89: {  	[tilespmem:s16], [sflag:$0x3] =	stream.indirect.gather [hbm4b:s22+s24], $0x40, s15, s24, $0xb8;
	[tilespmem:$0x1D1F0] =	vst v63  }
0x8a: {  	s19 =	simm.s32 $0x14F0;
	s17 =	rddreg [dreg:$0x8]  }
0x8b: {  	[tilespmem:s19], [sflag:$0x3] =	stream.linear.gather [hbm4b:s17+s15], $0xC80, $0x38;
	[tilespmem:$0x1D1F0] =	vst v63  }
0x8c: {  	s20 =	simm.s32 $0x5AF0  }
0x8d: {  	[tilespmem:s20], [sflag:$0x3] =	stream.indirect.gather [hbm4b:s9+s24], $0x10, s15, s24, $0xb8;
	[tilespmem:$0x1D1F0] =	vst v63  }
0x8e: {  	s28 =	simm.s32 $0x5FF0  }
0x8f: {  	[tilespmem:s28], [sflag:$0x3] =	stream.indirect.gather [hbm4b:s11+s24], $0x10, s2, s24, $0xb8;
	[tilespmem:$0x1D1F0] =	vst v63  }
0x90: {  	s29 =	rddreg [dreg:$0x9]  }
0x91: {  	[tilespmem:s24], [sflag:$0x2] =	stream.linear.gather [hbm4b:s29+s15], $0x28, $0x38;
	[tilespmem:$0x1D1F0] =	vst v63  }
0x92: {  	s31 =	simm.s32 $0x78;
	s30 =	rddreg [dreg:$0xa];
	s16 =	simm.s32 $0x0  }
0x93: {  	[tilespmem:s31], [sflag:$0x2] =	stream.linear.gather [hbm4b:s30+s15], $0x28, $0x38;
	[tilespmem:$0x1D1F0] =	vst v63  }
.LBB2_6:
0x94: {  	p0 =	seq.s32 s16, $0x0  }
0x95: {  	s2 =	simm.s32 @!p0 $0x6  }
0x96: {  	_ =	swait.ge @!p0 [sflag:s2], $0x280  }
0x97: {  	[sflag:s2] =	ssyncset.done @!p0 $0x0  }
0x98: {  	[sflag:s2] =	ssyncadd.s32 @!p0 $0xFFFFFD80  }
0x99: {  	_ =	swait.ge [sflag:s25], $0x28  }
0x9a: {  	[sflag:s25] =	ssyncset.done $0x0  }
0x9b: {  	[sflag:s25] =	ssyncadd.s32 $0xFFFFFFD8  }
0x9c: {  	_ =	swait.ge [sflag:s25], $0x28  }
0x9d: {  	[sflag:s25] =	ssyncset.done $0x0  }
0x9e: {  	[sflag:s25] =	ssyncadd.s32 $0xFFFFFFD8  }
0x9f: {  	_ =	swait.ge [sflag:s26], $0xA00  }
0xa0: {  	[sflag:s26] =	ssyncset.done $0x0  }
0xa1: {  	[sflag:s26] =	ssyncadd.s32 $0xFFFFF600  }
0xa2: {  	_ =	swait.ge [sflag:s26], $0xC80  }
0xa3: {  	[sflag:s26] =	ssyncset.done $0x0  }
0xa4: {  	[sflag:s26] =	ssyncadd.s32 $0xFFFFF380  }
0xa5: {  	_ =	swait.ge [sflag:s26], $0x280  }
0xa6: {  	[sflag:s26] =	ssyncset.done $0x0  }
0xa7: {  	[sflag:s26] =	ssyncadd.s32 $0xFFFFFD80  }
0xa8: {  	s31 =	smul.u32 $0x50, s16;
	_ =	swait.ge [sflag:s26], $0x280  }
0xa9: {  	s1 =	smov.u32 s21;
	s17 =	rddreg [dreg:$0x5]  }
0xaa: {  	s3 =	simm.s32 $0xAF0;
	[sflag:s26] =	ssyncset.done $0x0;
	s2 =	sadd.s32 s31, s17  }
0xab: {  	s19 =	sand.u32 $0x1, s16;
	[sflag:s26] =	ssyncadd.s32 $0xFFFFFD80;
	s2 =	smul.u32 $0xA, s2  }
0xac: {  	[tilespmem:s3], [sflag:$0x4] =	stream.indirect.gather [hbm4b:s22+s24], $0x40, s24, s24, $0xb8;
	[tilespmem:$0x1D1F0] =	vst v63  }
0xad: {  	s13 =	simm.s32 $0x2170;
	s20 =	smul.u32 $0x140, s19;
	s2 =	sadd.s32 s8, s2  }
0xae: {  	[tilespmem:s13], [sflag:$0x4] =	stream.linear.gather [hbm4b:s2+s4], $0xC80, $0x38;
	[tilespmem:$0x1D1F0] =	vst v63  }
0xaf: {  	s12 =	smov.u32 s22;
	s2 =	sshrl.u32 s20, $0x2;
	s20 =	sshll.u32 s16, $0x1  }
0xb0: {  	s21 =	simm.s32 $0x5D70;
	s28 =	sshll.u32 s19, $0x1;
	s29 =	sadd.s32 $0x2, s20  }
0xb1: {  	[tilespmem:s21], [sflag:$0x4] =	stream.indirect.gather [hbm4b:s9+s24], $0x10, s24, s24, $0xb8;
	[tilespmem:$0x1D1F0] =	vst v63  }
0xb2: {  	s22 =	simm.s32 $0x6270;
	s17 =	sadd.s32 $0x78, s2;
	s14 =	smin.u32 s29, $0xF9  }
0xb3: {  	s21 =	sxor.u32 $0x2, s28;
	s13 =	smul.u32 $0x28, s14;
	s14 =	simm.s32 @!p0 $0x7  }
0xb4: {  	[tilespmem:s22], [sflag:$0x4] =	stream.indirect.gather [hbm4b:s11+s24], $0x10, s17, s24, $0xb8;
	[tilespmem:$0x1D1F0] =	vst v63  }
0xb5: {  	_ =	swait.ge @!p0 [sflag:s14], $0x1680;
	s19 =	sadd.s32 s10, s13;
	s13 =	smul.u32 $0xA0, s21  }
0xb6: {  	[sflag:s14] =	ssyncset.done @!p0 $0x0;
	s3 =	sshrl.u32 s19, $0x3  }
0xb7: {  	[sflag:s14] =	ssyncadd.s32 @!p0 $0xFFFFE980;
	s22 =	sadd.s32 s6, s3;
	s13 =	sshrl.u32 s13, $0x2  }
0xb8: {  	[tilespmem:s15], [sflag:$0x1] =	stream.linear.gather [hbm4b:s22+s15], $0x28, $0x38;
	[tilespmem:$0x1D1F0] =	vst v63  }
0xb9: {  	s3 =	sadd.s32 s7, s3;
	s30 =	sadd.s32 $0x50, s13;
	s22 =	simm.s32 $0x1510  }
0xba: {  	[tilespmem:s30], [sflag:$0x1] =	stream.linear.gather [hbm4b:s3+s15], $0x28, $0x38;
	[tilespmem:$0x1D1F0] =	vst v63  }
0xbb: {  	s13 =	simm.s32 $0x110;
	v3 =	vld [tilespmem:s22+$0xFFFFFFE0]  }
0xbc: {  	v4 =	vld [tilespmem:s13+$0xFFFFFFE0];
	_ =	sdelay $0x4  }
0xbd: {  	v3 =	vadd.bf16 v3, v4;
	_ =	sdelay $0x1  }
0xbe: {  	v3 =	vmax.bf16 v3, v2  }
0xbf: {  	s14 =	simm.s32 $0x2E30;
	v4 =	vunpack.i.l.bf16.f32 v3  }
0xc0: {  	v3 =	vunpack.i.u.bf16.f32 v3;
	[tilespmem:s14+$0xFFFFFFC0] =	vst v4  }
0xc1: {  	[tilespmem:s14+$0x0] =	vst v3  }
0xc2: {  	v3 =	vld [tilespmem:s13+$0xFFFFFFF0]  }
0xc3: {  	v4 =	vld [tilespmem:s22+$0xFFFFFFF0];
	_ =	sdelay $0x4  }
0xc4: {  	v3 =	vadd.bf16 v4, v3;
	_ =	sdelay $0x1  }
0xc5: {  	v3 =	vmax.bf16 v3, v2  }
0xc6: {  	v4 =	vunpack.i.l.bf16.f32 v3  }
0xc7: {  	v3 =	vunpack.i.u.bf16.f32 v3;
	[tilespmem:s14+$0xFFFFFFD0] =	vst v4  }
0xc8: {  	[tilespmem:s14+$0x10] =	vst v3  }
0xc9: {  	v3 =	vld [tilespmem:s13+$0x0]  }
0xca: {  	v4 =	vld [tilespmem:s22+$0x0];
	_ =	sdelay $0x4  }
0xcb: {  	v3 =	vadd.bf16 v4, v3;
	_ =	sdelay $0x1  }
0xcc: {  	v3 =	vmax.bf16 v3, v2  }
0xcd: {  	v4 =	vunpack.i.l.bf16.f32 v3  }
0xce: {  	v3 =	vunpack.i.u.bf16.f32 v3;
	[tilespmem:s14+$0xFFFFFFE0] =	vst v4  }
0xcf: {  	[tilespmem:s14+$0x20] =	vst v3  }
0xd0: {  	v3 =	vld [tilespmem:s13+$0x10]  }
0xd1: {  	v4 =	vld [tilespmem:s22+$0x10];
	_ =	sdelay $0x4  }
0xd2: {  	v3 =	vadd.bf16 v4, v3;
	_ =	sdelay $0x1  }
0xd3: {  	v3 =	vmax.bf16 v3, v2  }
0xd4: {  	v4 =	vunpack.i.l.bf16.f32 v3  }
0xd5: {  	v3 =	vunpack.i.u.bf16.f32 v3;
	[tilespmem:s14+$0xFFFFFFF0] =	vst v4  }
0xd6: {  	[tilespmem:s14+$0x30] =	vst v3  }
0xd7: {  	s3 =	simm.s32 $0x0;
	v3 =	vld [tilespmem:s22+$0x20]  }
0xd8: {  	s21 =	simm.s32 $0x40;
	s19 =	sadd.s32 $0x50, s2;
	v4 =	vld [tilespmem:s3+$0x5AF0]  }
.LBB2_7:
0xd9: {  	v5 =	vld [tilespmem:s3+$0x5FF0];
	s14 =	sadd.s32 $0x90, s14;
	s22 =	sadd.s32 $0x50, s22;
	s13 =	sadd.s32 $0x40, s13  }
0xda: {  	p1 =	sne.s32 s21, $0x9C0;
	s2 =	smov.u32 s21;
	s21 =	sadd.s32 $0x40, s21  }
0xdb: {  	_ = 	snop  }
0xdc: {  	v3 =	vunpack.i.l.bf16.f32 v3  }
0xdd: {  	v3 =	vadd.f32 v4, v3;
	_ =	sdelay $0x1  }
0xde: {  	v3 =	vadd.f32 v5, v3;
	_ =	sdelay $0x1  }
0xdf: {  	v3 =	vmax.f32 v3, $0.0e+00  }
0xe0: {  	[tilespmem:s3+$0x64F0] =	vst v3  }
0xe1: {  	v3 =	vld [tilespmem:s22+$0xFFFFFFE0]  }
0xe2: {  	v4 =	vld [tilespmem:s13+$0xFFFFFFE0];
	_ =	sdelay $0x4  }
0xe3: {  	v3 =	vadd.bf16 v3, v4;
	_ =	sdelay $0x1  }
0xe4: {  	v3 =	vmax.bf16 v3, v2  }
0xe5: {  	v4 =	vunpack.i.u.bf16.f32 v3;
	v3 =	vunpack.i.l.bf16.f32 v3  }
0xe6: {  	[tilespmem:s14+$0xFFFFFFC0] =	vst v3  }
0xe7: {  	[tilespmem:s14+$0x0] =	vst v4  }
0xe8: {  	v3 =	vld [tilespmem:s13+$0xFFFFFFF0]  }
0xe9: {  	v4 =	vld [tilespmem:s22+$0xFFFFFFF0];
	_ =	sdelay $0x4  }
0xea: {  	v3 =	vadd.bf16 v4, v3;
	_ =	sdelay $0x1  }
0xeb: {  	v3 =	vmax.bf16 v3, v2  }
0xec: {  	v4 =	vunpack.i.u.bf16.f32 v3;
	v3 =	vunpack.i.l.bf16.f32 v3  }
0xed: {  	[tilespmem:s14+$0xFFFFFFD0] =	vst v3  }
0xee: {  	[tilespmem:s14+$0x10] =	vst v4  }
0xef: {  	v3 =	vld [tilespmem:s13+$0x0]  }
0xf0: {  	v4 =	vld [tilespmem:s22+$0x0];
	_ =	sdelay $0x4  }
0xf1: {  	v3 =	vadd.bf16 v4, v3;
	_ =	sdelay $0x1  }
0xf2: {  	v3 =	vmax.bf16 v3, v2  }
0xf3: {  	v4 =	vunpack.i.u.bf16.f32 v3;
	v3 =	vunpack.i.l.bf16.f32 v3  }
0xf4: {  	[tilespmem:s14+$0xFFFFFFE0] =	vst v3  }
0xf5: {  	[tilespmem:s14+$0x20] =	vst v4  }
0xf6: {  	v3 =	vld [tilespmem:s13+$0x10]  }
0xf7: {  	v4 =	vld [tilespmem:s22+$0x10];
	_ =	sdelay $0x4  }
0xf8: {  	v3 =	vadd.bf16 v4, v3;
	_ =	sdelay $0x1  }
0xf9: {  	v3 =	vmax.bf16 v3, v2  }
.Ltmp2:
0xfa: {  	v4 =	vunpack.i.u.bf16.f32 v3;
	v3 =	vunpack.i.l.bf16.f32 v3;
	(pc) =	sbr.rel @p1 .LBB2_7-.Ltmp2, $4  }
0xfb: {  	[tilespmem:s14+$0xFFFFFFF0] =	vst v3  }
0xfc: {  	[tilespmem:s14+$0x30] =	vst v4  }
0xfd: {  	s3 =	sshra.s32 s2, $0x2;
	v3 =	vld [tilespmem:s22+$0x20]  }
0xfe: {  	v4 =	vld [tilespmem:s3+$0x5AF0]  }
0xff: {  	_ = 	snop  }
0x100: {  	v5 =	vld [tilespmem:s3+$0x5FF0];
	_ =	sdelay $0x1  }
0x101: {  	v3 =	vunpack.i.l.bf16.f32 v3  }
0x102: {  	v3 =	vadd.f32 v4, v3;
	_ =	sdelay $0x1  }
0x103: {  	v3 =	vadd.f32 v5, v3;
	_ =	sdelay $0x1  }
0x104: {  	v3 =	vmax.f32 v3, $0.0e+00  }
0x105: {  	s2 =	simm.s32 $0x2DF0;
	[tilespmem:s3+$0x64F0] =	vst v3;
	s3 =	sadd.s32 s10, s31  }
0x106: {  	[spmem:s18] =	stream.indirect.scatter.add.f32 [tilespmem:s2], [sflag:$0x7], $0x90, s19, s24, $0xb8;
	[tilespmem:$0x1D1F0] =	vst v63  }
0x107: {  	s2 =	sshll.u32 s3, $0x1  }
0x108: {  	s13 =	simm.s32 $0x64F0;
	s2 =	sadd.s32 s1, s2  }
0x109: {  	[hbm4b:s2+s4] =	stream.linear.scatter [tilespmem:s13], [sflag:$0x5], $0x280, $0x38;
	[tilespmem:$0x1D1F0] =	vst v63  }
0x10a: {  	_ =	swait.ge [sflag:s0], $0x280  }
0x10b: {  	[sflag:s0] =	ssyncset.done $0x0  }
0x10c: {  	[sflag:s0] =	ssyncadd.s32 $0xFFFFFD80  }
0x10d: {  	_ =	swait.ge [sflag:s23], $0x28  }
0x10e: {  	[sflag:s23] =	ssyncset.done $0x0  }
0x10f: {  	[sflag:s23] =	ssyncadd.s32 $0xFFFFFFD8  }
0x110: {  	_ =	swait.ge [sflag:s23], $0x28  }
0x111: {  	[sflag:s23] =	ssyncset.done $0x0  }
0x112: {  	[sflag:s23] =	ssyncadd.s32 $0xFFFFFFD8  }
0x113: {  	_ =	swait.ge [sflag:s5], $0xA00  }
0x114: {  	[sflag:s5] =	ssyncset.done $0x0  }
0x115: {  	[sflag:s5] =	ssyncadd.s32 $0xFFFFF600  }
0x116: {  	_ =	swait.ge [sflag:s5], $0xC80  }
0x117: {  	[sflag:s5] =	ssyncset.done $0x0  }
0x118: {  	[sflag:s5] =	ssyncadd.s32 $0xFFFFF380  }
0x119: {  	s31 =	sor.u32 $0x1, s20;
	_ =	swait.ge [sflag:s5], $0x280  }
0x11a: {  	p1 =	sgt.u32 s31, $0xF8;
	[sflag:s5] =	ssyncset.done $0x0  }
0x11b: {  	s2 =	smul.u32 @!p1 $0x28, s29;
	[sflag:s5] =	ssyncadd.s32 $0xFFFFFD80  }
0x11c: {  	s3 =	simm.s32 @!p1 $0x28;
	_ =	swait.ge [sflag:s5], $0x280  }
0x11d: {  	s14 =	simm.s32 @!p1 $0xF0;
	s2 =	sadd.s32 @!p1 s10, s2;
	[sflag:s5] =	ssyncset.done $0x0  }
0x11e: {  	s13 =	simm.s32 @!p1 $0x0;
	s2 =	smul.u32 @!p1 $0xA, s2;
	[sflag:s5] =	ssyncadd.s32 $0xFFFFFD80  }
0x11f: {  	[tilespmem:s14], [sflag:$0x3] =	stream.indirect.gather @!p1 [hbm4b:s12+s3], $0x40, s13, s3, $0xb8;
	[tilespmem:$0x1D1F0] =	vst v63  }
0x120: {  	s2 =	sadd.s32 @!p1 s8, s2;
	s14 =	simm.s32 @!p1 $0x14F0  }
0x121: {  	[tilespmem:s14], [sflag:$0x3] =	stream.linear.gather @!p1 [hbm4b:s2+s13], $0xC80, $0x38;
	[tilespmem:$0x1D1F0] =	vst v63  }
0x122: {  	s2 =	simm.s32 @!p1 $0x5AF0  }
0x123: {  	[tilespmem:s2], [sflag:$0x3] =	stream.indirect.gather @!p1 [hbm4b:s9+s3], $0x10, s13, s3, $0xb8;
	[tilespmem:$0x1D1F0] =	vst v63  }
0x124: {  	s2 =	simm.s32 @!p1 $0x5FF0  }
0x125: {  	[tilespmem:s2], [sflag:$0x3] =	stream.indirect.gather @!p1 [hbm4b:s11+s3], $0x10, s30, s3, $0xb8;
	[tilespmem:$0x1D1F0] =	vst v63  }
0x126: {  	s14 =	smin.u32 s20, $0xF6;
	s3 =	simm.s32 @!p0 $0x8  }
0x127: {  	s19 =	sadd.s32 $0xFFFFFFFF, s28;
	s2 =	smul.u32 $0x28, s14;
	_ =	swait.ge @!p0 [sflag:s3], $0x1680  }
0x128: {  	s13 =	sand.u32 $0x3, s19;
	s20 =	rddreg [dreg:$0xb]  }
0x129: {  	s13 =	smul.u32 $0xA0, s13;
	s2 =	sadd.s32 s2, s20  }
0x12a: {  	s29 =	simm.s32 $0x0;
	[sflag:s3] =	ssyncset.done @!p0 $0x0;
	s2 =	sshrl.u32 s2, $0x3  }
0x12b: {  	s30 =	sshrl.u32 s13, $0x2;
	[sflag:s3] =	ssyncadd.s32 @!p0 $0xFFFFE980;
	s28 =	sadd.s32 s6, s2  }
0x12c: {  	[tilespmem:s24], [sflag:$0x2] =	stream.linear.gather [hbm4b:s28+s29], $0x28, $0x38;
	[tilespmem:$0x1D1F0] =	vst v63  }
0x12d: {  	s13 =	simm.s32 $0x21B0;
	s3 =	sadd.s32 $0x50, s30;
	s2 =	sadd.s32 s7, s2  }
0x12e: {  	[tilespmem:s3], [sflag:$0x2] =	stream.linear.gather [hbm4b:s2+s29], $0x28, $0x38;
	[tilespmem:$0x1D1F0] =	vst v63  }
0x12f: {  	s20 =	simm.s32 $0xB20;
	v3 =	vld [tilespmem:s13+$0xFFFFFFC0]  }
0x130: {  	v4 =	vld [tilespmem:s20+$0xFFFFFFD0];
	_ =	sdelay $0x4  }
0x131: {  	v3 =	vadd.bf16 v3, v4;
	_ =	sdelay $0x1  }
0x132: {  	v3 =	vmax.bf16 v3, v2  }
0x133: {  	s14 =	simm.s32 $0x44E0;
	v4 =	vunpack.i.l.bf16.f32 v3  }
0x134: {  	v3 =	vunpack.i.u.bf16.f32 v3;
	[tilespmem:s14+$0xFFFFFF90] =	vst v4  }
0x135: {  	[tilespmem:s14+$0xFFFFFFD0] =	vst v3  }
0x136: {  	v3 =	vld [tilespmem:s20+$0xFFFFFFE0]  }
0x137: {  	v4 =	vld [tilespmem:s13+$0xFFFFFFD0];
	_ =	sdelay $0x4  }
0x138: {  	v3 =	vadd.bf16 v4, v3;
	_ =	sdelay $0x1  }
0x139: {  	v3 =	vmax.bf16 v3, v2  }
0x13a: {  	v4 =	vunpack.i.l.bf16.f32 v3  }
0x13b: {  	v3 =	vunpack.i.u.bf16.f32 v3;
	[tilespmem:s14+$0xFFFFFFA0] =	vst v4  }
0x13c: {  	[tilespmem:s14+$0xFFFFFFE0] =	vst v3  }
0x13d: {  	v3 =	vld [tilespmem:s20+$0xFFFFFFF0]  }
0x13e: {  	v4 =	vld [tilespmem:s13+$0xFFFFFFE0];
	_ =	sdelay $0x4  }
0x13f: {  	v3 =	vadd.bf16 v4, v3;
	_ =	sdelay $0x1  }
0x140: {  	v3 =	vmax.bf16 v3, v2  }
0x141: {  	v4 =	vunpack.i.l.bf16.f32 v3  }
0x142: {  	v3 =	vunpack.i.u.bf16.f32 v3;
	[tilespmem:s14+$0xFFFFFFB0] =	vst v4  }
0x143: {  	[tilespmem:s14+$0xFFFFFFF0] =	vst v3  }
0x144: {  	v3 =	vld [tilespmem:s20+$0x0]  }
0x145: {  	v4 =	vld [tilespmem:s13+$0xFFFFFFF0];
	_ =	sdelay $0x4  }
0x146: {  	v3 =	vadd.bf16 v4, v3;
	_ =	sdelay $0x1  }
0x147: {  	v3 =	vmax.bf16 v3, v2  }
0x148: {  	v4 =	vunpack.i.l.bf16.f32 v3  }
0x149: {  	v3 =	vunpack.i.u.bf16.f32 v3;
	[tilespmem:s14+$0xFFFFFFC0] =	vst v4  }
0x14a: {  	[tilespmem:s14+$0x0] =	vst v3  }
0x14b: {  	s3 =	simm.s32 $0x0;
	v3 =	vld [tilespmem:s13+$0x0]  }
0x14c: {  	s21 =	smov.u32 s1;
	s22 =	smov.u32 s12;
	s19 =	simm.s32 $0x40;
	v4 =	vld [tilespmem:s3+$0x5D70]  }
.LBB2_9:
0x14d: {  	v5 =	vld [tilespmem:s3+$0x6270];
	s14 =	sadd.s32 $0x90, s14;
	s13 =	sadd.s32 $0x50, s13;
	s20 =	sadd.s32 $0x40, s20  }
0x14e: {  	p0 =	sne.s32 s19, $0x9C0;
	s2 =	smov.u32 s19;
	s19 =	sadd.s32 $0x40, s19  }
0x14f: {  	_ = 	snop  }
0x150: {  	v3 =	vunpack.i.l.bf16.f32 v3  }
0x151: {  	v3 =	vadd.f32 v4, v3;
	_ =	sdelay $0x1  }
0x152: {  	v3 =	vadd.f32 v5, v3;
	_ =	sdelay $0x1  }
0x153: {  	v3 =	vmax.f32 v3, $0.0e+00  }
0x154: {  	[tilespmem:s3+$0x6770] =	vst v3  }
0x155: {  	v3 =	vld [tilespmem:s13+$0xFFFFFFC0]  }
0x156: {  	v4 =	vld [tilespmem:s20+$0xFFFFFFD0];
	_ =	sdelay $0x4  }
0x157: {  	v3 =	vadd.bf16 v3, v4;
	_ =	sdelay $0x1  }
0x158: {  	v3 =	vmax.bf16 v3, v2  }
0x159: {  	v4 =	vunpack.i.u.bf16.f32 v3;
	v3 =	vunpack.i.l.bf16.f32 v3  }
0x15a: {  	[tilespmem:s14+$0xFFFFFF90] =	vst v3  }
0x15b: {  	[tilespmem:s14+$0xFFFFFFD0] =	vst v4  }
0x15c: {  	v3 =	vld [tilespmem:s20+$0xFFFFFFE0]  }
0x15d: {  	v4 =	vld [tilespmem:s13+$0xFFFFFFD0];
	_ =	sdelay $0x4  }
0x15e: {  	v3 =	vadd.bf16 v4, v3;
	_ =	sdelay $0x1  }
0x15f: {  	v3 =	vmax.bf16 v3, v2  }
0x160: {  	v4 =	vunpack.i.u.bf16.f32 v3;
	v3 =	vunpack.i.l.bf16.f32 v3  }
0x161: {  	[tilespmem:s14+$0xFFFFFFA0] =	vst v3  }
0x162: {  	[tilespmem:s14+$0xFFFFFFE0] =	vst v4  }
0x163: {  	v3 =	vld [tilespmem:s20+$0xFFFFFFF0]  }
0x164: {  	v4 =	vld [tilespmem:s13+$0xFFFFFFE0];
	_ =	sdelay $0x4  }
0x165: {  	v3 =	vadd.bf16 v4, v3;
	_ =	sdelay $0x1  }
0x166: {  	v3 =	vmax.bf16 v3, v2  }
0x167: {  	v4 =	vunpack.i.u.bf16.f32 v3;
	v3 =	vunpack.i.l.bf16.f32 v3  }
0x168: {  	[tilespmem:s14+$0xFFFFFFB0] =	vst v3  }
0x169: {  	[tilespmem:s14+$0xFFFFFFF0] =	vst v4  }
0x16a: {  	v3 =	vld [tilespmem:s20+$0x0]  }
0x16b: {  	v4 =	vld [tilespmem:s13+$0xFFFFFFF0];
	_ =	sdelay $0x4  }
0x16c: {  	v3 =	vadd.bf16 v4, v3;
	_ =	sdelay $0x1  }
0x16d: {  	v3 =	vmax.bf16 v3, v2  }
.Ltmp3:
0x16e: {  	v4 =	vunpack.i.u.bf16.f32 v3;
	v3 =	vunpack.i.l.bf16.f32 v3;
	(pc) =	sbr.rel @p0 .LBB2_9-.Ltmp3, $4  }
0x16f: {  	[tilespmem:s14+$0xFFFFFFC0] =	vst v3  }
0x170: {  	[tilespmem:s14+$0x0] =	vst v4  }
0x171: {  	s3 =	sshra.s32 s2, $0x2;
	v3 =	vld [tilespmem:s13+$0x0]  }
0x172: {  	v4 =	vld [tilespmem:s3+$0x5D70]  }
0x173: {  	_ = 	snop  }
0x174: {  	v5 =	vld [tilespmem:s3+$0x6270];
	_ =	sdelay $0x1  }
0x175: {  	v3 =	vunpack.i.l.bf16.f32 v3  }
0x176: {  	v3 =	vadd.f32 v4, v3  }
0x177: {  	s2 =	smul.u32 $0x28, s31  }
0x178: {  	s16 =	sadd.s32 $0x1, s16;
	v3 =	vadd.f32 v5, v3  }
0x179: {  	p0 =	sne.s32 s16, $0x7D;
	s2 =	sadd.s32 s10, s2  }
.Ltmp4:
0x17a: {  	s2 =	sshll.u32 s2, $0x1;
	v3 =	vmax.f32 v3, $0.0e+00;
	(pc) =	sbr.rel @p0 .LBB2_6-.Ltmp4, $4  }
0x17b: {  	s1 =	simm.s32 $0x4470;
	s2 =	sand.u32 $0x1FFFFFF0, s2;
	[tilespmem:s3+$0x6770] =	vst v3  }
0x17c: {  	[spmem:s18] =	stream.indirect.scatter.add.f32 [tilespmem:s1], [sflag:$0x8], $0x90, s17, s24, $0xb8;
	[tilespmem:$0x1D1F0] =	vst v63  }
0x17d: {  	s31 =	simm.s32 $0x6770;
	s2 =	sadd.s32 s21, s2  }
0x17e: {  	[hbm4b:s2+s4] =	stream.linear.scatter [tilespmem:s31], [sflag:$0x6], $0x280, $0x38;
	[tilespmem:$0x1D1F0] =	vst v63  }
0x17f: {  	s1 =	simm.s32 $0x6  }
0x180: {  	_ =	swait.ge [sflag:s1], $0x280  }
0x181: {  	[sflag:s1] =	ssyncset.done $0x0  }
0x182: {  	s19 =	simm.s32 $0x7;
	[sflag:s1] =	ssyncadd.s32 $0xFFFFFD80  }
0x183: {  	_ =	swait.ge [sflag:s19], $0x1680  }
0x184: {  	[sflag:s19] =	ssyncset.done $0x0  }
0x185: {  	s20 =	simm.s32 $0x8;
	[sflag:s19] =	ssyncadd.s32 $0xFFFFE980  }
0x186: {  	_ =	swait.ge [sflag:s20], $0x1680  }
0x187: {  	[sflag:s20] =	ssyncset.done $0x0  }
0x188: {  	[sflag:s20] =	ssyncadd.s32 $0xFFFFE980  }
0x189: {  	s28 =	stileid.u32;
	[bflag:$0x0] =	sbarrier.arrive $0xFFFF  }
0x18a: {  	s2 =	sshll.u32 s28, $0x6;
	s29 =	rddreg [dreg:$0xc]  }
0x18b: {  	s12 =	simm.s32 $0x9;
	s2 =	sor.u32 $0x1C09, s2;
	s3 =	rddreg [dreg:$0x12]  }
0x18c: {  	[hbm:s29], [sflag:s2] =	dma.local [spmem:s3], $0x2D00  }
0x18d: {  	_ =	swait.ge [sflag:s12], $0x2D00  }
0x18e: {  	s30 =	rddreg [dreg:$0x1f]  }
0x18f: {  	s31 =	rddreg [dreg:$0xe];
	s2 =	sadd.s32 $0x1, s30  }
0x190: {  	p0 =	sne.s32 s2, s31  }
.Ltmp5:
0x191: {  	_ = 	snop;
	(pc) =	sbr.rel @p0 .LBB2_1-.Ltmp5, $3  }
0x192: {  	_ =	sdelay $0x1  }
0x193: {  	[sflag:s12] =	ssyncset.done $0x0  }
0x194: {  	[sflag:s12] =	ssyncadd.s32 $0xFFFFD300  }
0x195: {  	_ =	sfence.sel $0x180000  }
0x196: {  	[bflag:$0x0] =	sbarrier.arrive $0xFFFF  }
0x197: {  	_ =	strace $0x90000047  }
0x198: {  	s0 =	stileid.u32;
	[bflag:$0x2] =	sbarrier.arrive $0xFFFF  }
0x199: {  	p0 =	sne.s32 s0, $0x0;
	s0 =	rddreg [dreg:$0x4]  }
0x19a: {  	s0 =	sadd.s32 @!p0 $0x100000, s0  }
0x19b: {  	[sflag:s0] =	ssyncadd.tile.s32 @!p0 $0x1;
	_ =	shalt  }
.Lfunc_end2:
_tile_overlayer_lowered:
.L_overlay_start_2:
0x19c: {  	(tag) =	ssettag $0x2  }
0x19d: {  	s0 =	rddreg [dreg:$0x0];
	s2 =	stileid.u32  }
0x19e: {  	s1 =	rddreg [dreg:$0x1];
	p0 =	sne.s32 s2, $0x0  }
0x19f: {  	s3 =	rddreg [dreg:$0x2];
	[bflag:$0x3] =	sbarrier.arrive $0xFFFF;
	s2 =	simm.s32 @!p0 $0x1C09  }
0x1a0: {  	[timem:s3], [sflag:s2] =	dma.local @!p0 [hbm:s0], s1  }
0x1a1: {  	s0 =	simm.s32 @!p0 $0x9  }
0x1a2: {  	_ =	swait.ge @!p0 [sflag:s0], s1  }
0x1a3: {  	s1 =	ssub.s32 @!p0 $0x0, s1;
	[sflag:s0] =	ssyncset.done @!p0 $0x0  }
0x1a4: {  	[sflag:s0] =	ssyncadd.s32 @!p0 s1  }
0x1a5: {  	[bflag:$0x3] =	sbarrier.arrive $0xFFFF  }
0x1a6: {  	_ =	shalt  }

</sc_bundles>
